<compile_context>
chip_gen: v7x
topology: tpu7x:2x2x1
jax: 0.10.2.dev20260603
libtpu: 0.0.44.dev20260713+nightly
codegen_flags: <defaults>
</compile_context>

<pallas_src>
import functools

import numpy as np
import jax
import jax.numpy as jnp
from jax import lax
from jax.experimental import pallas as pl
from jax.experimental.pallas import tpu as pltpu
from jax.experimental.pallas import tpu_sc as plsc

_NUM_EMB = 1000000
_DIM = 64
_WORDS = 8
_BATCH = 16384
_HIST = 20
_B = _BATCH * _HIST
_ROT_SEED = 42

_PLANE = 1000064
_RPK_BLK = 16384


def _hadamard(d):
    H = np.array([[1.0]], dtype=np.float32)
    while H.shape[0] < d:
        H = np.block([[H, H], [H, -H]]).astype(np.float32)
    return H


def _signs(seed, d):
    rng = np.random.default_rng(seed)
    return rng.integers(0, 2, size=d).astype(np.float32) * 2.0 - 1.0


def _make_rot_const():
    H = _hadamard(_DIM)
    s = _signs(_ROT_SEED, _DIM)
    A = H * s[None, :] / np.float32(_DIM)
    perm = np.array([8 * (j % 8) + j // 8 for j in range(_DIM)])
    return np.ascontiguousarray(A[perm, :])


_A_PERM = _make_rot_const()



def _byte_weights():
    lo = np.zeros((_WORDS, 32), np.float32)
    hi = np.zeros((_WORDS, 32), np.float32)
    for j in range(_WORDS):
        lo[j, 4 * j] = 1.0
        lo[j, 4 * j + 1] = 256.0
        hi[j, 4 * j + 2] = 1.0
        hi[j, 4 * j + 3] = 256.0
    return lo, hi


_W_LO, _W_HI = _byte_weights()


def _repack_body(src_ref, out_ref):
    v = src_ref[...].astype(jnp.int32)
    parts = []
    for j in range(_WORDS):
        b = [lax.slice(v, (4 * j + k, 0), (4 * j + k + 1, v.shape[1]))
             for k in range(4)]
        parts.append(b[0] | (b[1] << 8) | (b[2] << 16) | (b[3] << 24))
    out_ref[...] = jnp.concatenate(parts, axis=0)


def _tc_repack(table_u8_t):
    grid = (_PLANE + _RPK_BLK - 1) // _RPK_BLK
    return pl.pallas_call(
        _repack_body,
        grid=(grid,),
        in_specs=[pl.BlockSpec((32, _RPK_BLK), lambda i: (0, i))],
        out_specs=pl.BlockSpec((_WORDS, _RPK_BLK), lambda i: (0, i)),
        out_shape=jax.ShapeDtypeStruct((_WORDS, _PLANE), jnp.int32),
    )(table_u8_t)



_NW = 32
_BPW = _B // _NW


@functools.cache
def _make_sc_gather():
    def body(ids_hbm, table_hbm, norms_hbm, rows_out, norms_out,
             idx_v, idxc_v, rows_v, nrm_v, sem_r, sem_n):
        wid = lax.axis_index("s") * 2 + lax.axis_index("c")
        base = wid * _BPW
        pltpu.sync_copy(ids_hbm.at[pl.ds(base, _BPW)], idx_v)
        cp_n = pltpu.async_copy(norms_hbm.at[idx_v], nrm_v, sem_n)
        for c in range(_WORDS):
            off = jnp.int32(c * _PLANE)

            def add_off(i, _):
                sl = pl.ds(i * 16, 16)
                idxc_v[sl] = idx_v[sl] + off
                return 0

            lax.fori_loop(0, _BPW // 16, add_off, 0)
            pltpu.async_copy(table_hbm.at[idxc_v], rows_v.at[c], sem_r).wait()
        cp_n.wait()
        pltpu.sync_copy(rows_v, rows_out.at[:, pl.ds(base, _BPW)])
        pltpu.sync_copy(nrm_v, norms_out.at[pl.ds(base, _BPW)])

    return pl.kernel(
        body,
        out_type=[
            jax.ShapeDtypeStruct((_WORDS, _B), jnp.int32),
            jax.ShapeDtypeStruct((_B,), jnp.float32),
        ],
        mesh=plsc.VectorSubcoreMesh(core_axis_name="c", subcore_axis_name="s"),
        compiler_params=pltpu.CompilerParams(use_tc_tiling_on_sc=False),
        scratch_types=[
            pltpu.VMEM((_BPW,), jnp.int32),
            pltpu.VMEM((_BPW,), jnp.int32),
            pltpu.VMEM((_WORDS, _BPW), jnp.int32),
            pltpu.VMEM((_BPW,), jnp.float32),
            pltpu.SemaphoreType.DMA,
            pltpu.SemaphoreType.DMA,
        ],
    )



_BLK = 2048


def _tc_body(rows_ref, norms_ref, cb_ref, rot_ref, out_ref):
    wt = rows_ref[...]
    rows = [(wt >> (4 * k)) & 0xF for k in range(8)]
    idx = jnp.concatenate(rows, axis=0)
    cb2d = jnp.broadcast_to(cb_ref[...][None, :], (_DIM, 16))
    y = jnp.take_along_axis(cb2d, idx, axis=1)
    w = lax.dot_general(
        rot_ref[...], y, (((0,), (0,)), ((), ())),
        preferred_element_type=jnp.float32,
    )
    out_ref[0] = w * norms_ref[...][None, :]


def _tc_dequant(rows_t, norms, codebook):
    nb = _BATCH // _BLK
    return pl.pallas_call(
        _tc_body,
        grid=(_HIST, nb),
        in_specs=[
            pl.BlockSpec((_WORDS, _BLK), lambda h, i: (0, h * nb + i)),
            pl.BlockSpec((_BLK,), lambda h, i: (h * nb + i,)),
            pl.BlockSpec((16,), lambda h, i: (0,)),
            pl.BlockSpec((_DIM, _DIM), lambda h, i: (0, 0)),
        ],
        out_specs=pl.BlockSpec((1, _DIM, _BLK), lambda h, i: (h, 0, i)),
        out_shape=jax.ShapeDtypeStruct((_HIST, _DIM, _BATCH), jnp.float32),
    )(rows_t, norms, codebook, jnp.asarray(_A_PERM))


def kernel(input_ids, indices_packed, weight_norms, codebook):
    flat_ids = input_ids.astype(jnp.int32).T.reshape(-1)
    table1d = _tc_repack(indices_packed.T).reshape(-1)
    rows_t, norms = _make_sc_gather()(flat_ids, table1d, weight_norms)
    out = _tc_dequant(rows_t, norms, codebook)
    return jnp.transpose(out, (2, 0, 1)).astype(codebook.dtype)

# --- scband reference (transcript-rebuilt; emitter-appended) ---
"""Pipeline reference for scband-turbo-quant-embedding-51479478010526 (READ-ONLY COPY).

The authoritative reference and input builder live on the scoring server;
editing this copy changes nothing except your own understanding.
"""

import jax, jax.numpy as jnp
import numpy as np

NUM_EMB = 1000000
DIM = 64
BIT_WIDTH = 4
GROUP_SIZE = 64
N_LEVELS = 2 ** BIT_WIDTH
PACK_FACTOR = 8 // BIT_WIDTH
PACKED_DIM = (DIM + PACK_FACTOR - 1) // PACK_FACTOR
ROT_SEED = 42
BATCH = 16384
HIST = 20


def _hadamard_matrix(d):
    H = np.array([[1.0]], dtype=np.float32)
    while H.shape[0] < d:
        H = np.block([[H, H], [H, -H]]).astype(np.float32)
    return H


def _rand_signs(seed, d):
    rng = np.random.default_rng(seed)
    return (rng.integers(0, 2, size=d).astype(np.float32) * 2.0 - 1.0)


def unpack_bits(packed, dim):
    # packed: uint8 [B, PACKED_DIM]; each byte holds two 4-bit indices (low nibble first)
    low = (packed & jnp.uint8(0x0F)).astype(jnp.int32)
    high = (packed >> 4).astype(jnp.int32)
    out = jnp.stack([low, high], axis=-1).reshape(packed.shape[0], -1)
    return out[:, :dim]


def hadamard_rotate_inverse(Y, seed):
    # forward rotation was y = H (s * x) / sqrt(d); inverse: x = s * (H y) / sqrt(d)
    d = Y.shape[-1]
    H = jnp.asarray(_hadamard_matrix(d))
    s = jnp.asarray(_rand_signs(seed, d))
    return (Y @ H) / jnp.sqrt(jnp.float32(d)) * s


def setup_inputs(seed: int = 0) -> dict:
    key = jax.random.key(seed)
    k1, k2, k3, k4 = jax.random.split(key, 4)
    input_ids = jax.random.randint(k1, (BATCH, HIST), 0, NUM_EMB)
    indices_packed = jax.random.randint(k2, (NUM_EMB, PACKED_DIM), 0, 256).astype(jnp.uint8)
    weight_norms = jax.random.uniform(k3, (NUM_EMB,), minval=0.5, maxval=1.5, dtype=jnp.float32)
    codebook = jax.random.normal(k4, (N_LEVELS,), dtype=jnp.float32)
    return {"input_ids": input_ids, "indices_packed": indices_packed,
            "weight_norms": weight_norms, "codebook": codebook}


def reference(input_ids, indices_packed, weight_norms, codebook):
    orig_shape = input_ids.shape
    flat_ids = input_ids.reshape(-1)
    # 1. gather packed rows for requested token IDs
    packed_rows = jnp.take(indices_packed, flat_ids, axis=0)
    # 2. unpack 4-bit quantization indices
    idx = unpack_bits(packed_rows, DIM)
    # 3. gather per-row norms
    norms = jnp.take(weight_norms, flat_ids, axis=0)
    scale = float(np.sqrt(GROUP_SIZE))
    # single group (n_groups == 1): g_start = 0, g_dim = DIM (power of 2 -> hadamard)
    Y_g = jnp.take(codebook, idx.reshape(-1), axis=0).reshape(idx.shape) / scale
    W_g = hadamard_rotate_inverse(Y_g, ROT_SEED + 0)
    W_g = W_g * norms[:, None]
    return W_g.reshape(*orig_shape, DIM).astype(codebook.dtype)

if __name__ == "__main__":
    import jax
    _d = setup_inputs()
    print(jax.jit(kernel)(*tuple(_d.values())))

</pallas_src>

<mosaic_0001>
#map = affine_map<(d0, d1) -> (0)>
#map1 = affine_map<(d0, d1) -> (0, 0)>
module attributes {stable_mosaic.version = 14 : i64} {
  func.func @body(%arg0: i32, %arg1: i32, %arg2: memref<327680xi32, #tpu.memory_space<hbm>>, %arg3: memref<8000512xi32, #tpu.memory_space<hbm>>, %arg4: memref<1000000xf32, #tpu.memory_space<hbm>>, %arg5: memref<8x327680xi32, #tpu.memory_space<hbm>>, %arg6: memref<327680xf32, #tpu.memory_space<hbm>>, %arg7: memref<10240xi32, #tpu.memory_space<vmem>>, %arg8: memref<10240xi32, #tpu.memory_space<vmem>>, %arg9: memref<8x10240xi32, #tpu.memory_space<vmem>>, %arg10: memref<10240xf32, #tpu.memory_space<vmem>>, %arg11: memref<!tpu.dma_semaphore, #tpu.memory_space<semaphore_mem>>, %arg12: memref<!tpu.dma_semaphore, #tpu.memory_space<semaphore_mem>>) attributes {dimension_semantics = [#tpu.dimension_semantics<core_parallel>, #tpu.dimension_semantics<subcore_parallel>], iteration_bounds = array<i64: 2, 16>, scalar_prefetch = 0 : i64, scratch_operands = 6 : i64, tpu.core_type = #tpu.core_type<sc_vector_subcore>, window_params = [{transform_indices = #map}, {transform_indices = #map}, {transform_indices = #map}, {transform_indices = #map1}, {transform_indices = #map}]} {
    %mul3A = arith.constant 2 : i32
    %mul3A_0 = arith.muli %arg1, %mul3A : i32
    %add3A = arith.addi %mul3A_0, %arg0 : i32
    %mul3A_1 = arith.constant 10240 : i32
    %mul3A_2 = arith.muli %add3A, %mul3A_1 : i32
    "tpu.region"() ({
      %run_scoped3A = tpu.sem_alloc : memref<!tpu.dma_semaphore, #tpu.memory_space<semaphore_mem>>
      %dma_start3A_164 = tpu.memref_slice %arg2[%mul3A_2] : memref<327680xi32, #tpu.memory_space<hbm>> -> memref<10240xi32, #tpu.memory_space<hbm>>
      %dma_start3A_165 = tpu.memref_slice %arg2[%mul3A_2] : memref<327680xi32, #tpu.memory_space<hbm>> -> memref<10240xi32, #tpu.memory_space<hbm>>
      tpu.enqueue_dma source(%dma_start3A_165 : memref<10240xi32, #tpu.memory_space<hbm>>) target(%arg7 : memref<10240xi32, #tpu.memory_space<vmem>>) target_semaphore(%run_scoped3A : memref<!tpu.dma_semaphore, #tpu.memory_space<semaphore_mem>>)
      %dma_wait3A_166 = tpu.memref_slice %arg2[%mul3A_2] : memref<327680xi32, #tpu.memory_space<hbm>> -> memref<10240xi32, #tpu.memory_space<hbm>>
      %dma_wait3A_167 = tpu.memref_slice %arg2[%mul3A_2] : memref<327680xi32, #tpu.memory_space<hbm>> -> memref<10240xi32, #tpu.memory_space<hbm>>
      tpu.wait_dma2 semaphore(%run_scoped3A : memref<!tpu.dma_semaphore, #tpu.memory_space<semaphore_mem>>) src(%dma_wait3A_167 : memref<10240xi32, #tpu.memory_space<hbm>>) dst(%arg7 : memref<10240xi32, #tpu.memory_space<vmem>>)
      tpu.yield
    }) : () -> ()
    %dma_start3A = arith.constant 0 : i32
    %dma_start3A_3 = tpu.memref_slice %arg4[%dma_start3A] : memref<1000000xf32, #tpu.memory_space<hbm>> -> memref<1000000xf32, #tpu.memory_space<hbm>>
    tpu.enqueue_indirect_dma source(%dma_start3A_3 : memref<1000000xf32, #tpu.memory_space<hbm>>) target(%arg10 : memref<10240xf32, #tpu.memory_space<vmem>>) offsets(%arg7 : memref<10240xi32, #tpu.memory_space<vmem>>) semaphore(%arg12 : memref<!tpu.dma_semaphore, #tpu.memory_space<semaphore_mem>>)
    %scan3A = arith.constant 0 : i32
    %scan3A_4 = arith.constant 0 : i32
    %scan3A_5 = arith.constant 0 : i32
    %scan3A_6 = arith.constant 640 : i32
    %scan3A_7 = arith.addi %scan3A_5, %scan3A_6 : i32
    %scan3A_8 = arith.constant 1 : i32
    %scan3A_9 = scf.for %scan3A_164 = %scan3A_5 to %scan3A_7 step %scan3A_8 iter_args(%scan3A_165 = %scan3A_4) -> (i32)  : i32 {
      %mul3A_166 = arith.constant 16 : i32
      %mul3A_167 = arith.muli %scan3A_164, %mul3A_166 : i32
      %get3A = arith.index_cast %mul3A_167 : i32 to index
      %get3A_168 = tpu.vector_load %arg7[%get3A] {strides = array<i32>} : memref<10240xi32, #tpu.memory_space<vmem>>, vector<16xi32>,
      %get3A_169 = vector.shape_cast %get3A_168 : vector<16xi32> to vector<16xi32>
      %add3A_170 = vector.broadcast %scan3A : i32 to vector<16xi32>
      %add3A_171 = arith.addi %get3A_169, %add3A_170 : vector<16xi32>
      %swap3A = arith.index_cast %mul3A_167 : i32 to index
      %swap3A_172 = tpu.vector_load %arg8[%swap3A] {strides = array<i32>} : memref<10240xi32, #tpu.memory_space<vmem>>, vector<16xi32>,
      %swap3A_173 = vector.shape_cast %swap3A_172 : vector<16xi32> to vector<16xi32>
      %swap3A_174 = vector.shape_cast %add3A_171 : vector<16xi32> to vector<16xi32>
      tpu.vector_store %arg8[%swap3A], %swap3A_174 {strides = array<i32>} : memref<10240xi32, #tpu.memory_space<vmem>>, vector<16xi32>,
      %scan3A_175 = arith.constant 0 : i32
      scf.yield %scan3A_175 : i32
    }
    %scan3A_10 = arith.constant 640 : i32
    %dma_start3A_11 = arith.constant 0 : i32
    %dma_start3A_12 = arith.constant 0 : i32
    %dma_start3A_13 = tpu.memref_slice %arg9[%dma_start3A_11, %dma_start3A_12] : memref<8x10240xi32, #tpu.memory_space<vmem>> -> memref<1x10240xi32, #tpu.memory_space<vmem>>
    %dma_start3A_14 = tpu.memref_squeeze %dma_start3A_13 : memref<1x10240xi32, #tpu.memory_space<vmem>> -> memref<10240xi32, #tpu.memory_space<vmem>>
    %dma_start3A_15 = arith.constant 0 : i32
    %dma_start3A_16 = tpu.memref_slice %arg3[%dma_start3A_15] : memref<8000512xi32, #tpu.memory_space<hbm>> -> memref<8000512xi32, #tpu.memory_space<hbm>>
    tpu.enqueue_indirect_dma source(%dma_start3A_16 : memref<8000512xi32, #tpu.memory_space<hbm>>) target(%dma_start3A_14 : memref<10240xi32, #tpu.memory_space<vmem>>) offsets(%arg8 : memref<10240xi32, #tpu.memory_space<vmem>>) semaphore(%arg11 : memref<!tpu.dma_semaphore, #tpu.memory_space<semaphore_mem>>)
    %dma_wait3A = arith.constant 0 : i32
    %dma_wait3A_17 = arith.constant 0 : i32
    %dma_wait3A_18 = tpu.memref_slice %arg9[%dma_wait3A, %dma_wait3A_17] : memref<8x10240xi32, #tpu.memory_space<vmem>> -> memref<1x10240xi32, #tpu.memory_space<vmem>>
    %dma_wait3A_19 = tpu.memref_squeeze %dma_wait3A_18 : memref<1x10240xi32, #tpu.memory_space<vmem>> -> memref<10240xi32, #tpu.memory_space<vmem>>
    %dma_wait3A_20 = arith.constant 0 : i32
    %dma_wait3A_21 = tpu.memref_slice %arg3[%dma_wait3A_20] : memref<8000512xi32, #tpu.memory_space<hbm>> -> memref<8000512xi32, #tpu.memory_space<hbm>>
    tpu.wait_indirect_dma semaphore(%arg11 : memref<!tpu.dma_semaphore, #tpu.memory_space<semaphore_mem>>) src(%dma_wait3A_21 : memref<8000512xi32, #tpu.memory_space<hbm>>) dst(%dma_wait3A_19 : memref<10240xi32, #tpu.memory_space<vmem>>)
    %scan3A_22 = arith.constant 1000064 : i32
    %scan3A_23 = arith.constant 0 : i32
    %scan3A_24 = arith.constant 0 : i32
    %scan3A_25 = arith.constant 640 : i32
    %scan3A_26 = arith.addi %scan3A_24, %scan3A_25 : i32
    %scan3A_27 = arith.constant 1 : i32
    %scan3A_28 = scf.for %scan3A_164 = %scan3A_24 to %scan3A_26 step %scan3A_27 iter_args(%scan3A_165 = %scan3A_23) -> (i32)  : i32 {
      %mul3A_166 = arith.constant 16 : i32
      %mul3A_167 = arith.muli %scan3A_164, %mul3A_166 : i32
      %get3A = arith.index_cast %mul3A_167 : i32 to index
      %get3A_168 = tpu.vector_load %arg7[%get3A] {strides = array<i32>} : memref<10240xi32, #tpu.memory_space<vmem>>, vector<16xi32>,
      %get3A_169 = vector.shape_cast %get3A_168 : vector<16xi32> to vector<16xi32>
      %add3A_170 = vector.broadcast %scan3A_22 : i32 to vector<16xi32>
      %add3A_171 = arith.addi %get3A_169, %add3A_170 : vector<16xi32>
      %swap3A = arith.index_cast %mul3A_167 : i32 to index
      %swap3A_172 = tpu.vector_load %arg8[%swap3A] {strides = array<i32>} : memref<10240xi32, #tpu.memory_space<vmem>>, vector<16xi32>,
      %swap3A_173 = vector.shape_cast %swap3A_172 : vector<16xi32> to vector<16xi32>
      %swap3A_174 = vector.shape_cast %add3A_171 : vector<16xi32> to vector<16xi32>
      tpu.vector_store %arg8[%swap3A], %swap3A_174 {strides = array<i32>} : memref<10240xi32, #tpu.memory_space<vmem>>, vector<16xi32>,
      %scan3A_175 = arith.constant 0 : i32
      scf.yield %scan3A_175 : i32
    }
    %scan3A_29 = arith.constant 640 : i32
    %dma_start3A_30 = arith.constant 1 : i32
    %dma_start3A_31 = arith.constant 0 : i32
    %dma_start3A_32 = tpu.memref_slice %arg9[%dma_start3A_30, %dma_start3A_31] : memref<8x10240xi32, #tpu.memory_space<vmem>> -> memref<1x10240xi32, #tpu.memory_space<vmem>>
    %dma_start3A_33 = tpu.memref_squeeze %dma_start3A_32 : memref<1x10240xi32, #tpu.memory_space<vmem>> -> memref<10240xi32, #tpu.memory_space<vmem>>
    %dma_start3A_34 = arith.constant 0 : i32
    %dma_start3A_35 = tpu.memref_slice %arg3[%dma_start3A_34] : memref<8000512xi32, #tpu.memory_space<hbm>> -> memref<8000512xi32, #tpu.memory_space<hbm>>
    tpu.enqueue_indirect_dma source(%dma_start3A_35 : memref<8000512xi32, #tpu.memory_space<hbm>>) target(%dma_start3A_33 : memref<10240xi32, #tpu.memory_space<vmem>>) offsets(%arg8 : memref<10240xi32, #tpu.memory_space<vmem>>) semaphore(%arg11 : memref<!tpu.dma_semaphore, #tpu.memory_space<semaphore_mem>>)
    %dma_wait3A_36 = arith.constant 1 : i32
    %dma_wait3A_37 = arith.constant 0 : i32
    %dma_wait3A_38 = tpu.memref_slice %arg9[%dma_wait3A_36, %dma_wait3A_37] : memref<8x10240xi32, #tpu.memory_space<vmem>> -> memref<1x10240xi32, #tpu.memory_space<vmem>>
    %dma_wait3A_39 = tpu.memref_squeeze %dma_wait3A_38 : memref<1x10240xi32, #tpu.memory_space<vmem>> -> memref<10240xi32, #tpu.memory_space<vmem>>
    %dma_wait3A_40 = arith.constant 0 : i32
    %dma_wait3A_41 = tpu.memref_slice %arg3[%dma_wait3A_40] : memref<8000512xi32, #tpu.memory_space<hbm>> -> memref<8000512xi32, #tpu.memory_space<hbm>>
    tpu.wait_indirect_dma semaphore(%arg11 : memref<!tpu.dma_semaphore, #tpu.memory_space<semaphore_mem>>) src(%dma_wait3A_41 : memref<8000512xi32, #tpu.memory_space<hbm>>) dst(%dma_wait3A_39 : memref<10240xi32, #tpu.memory_space<vmem>>)
    %scan3A_42 = arith.constant 2000128 : i32
    %scan3A_43 = arith.constant 0 : i32
    %scan3A_44 = arith.constant 0 : i32
    %scan3A_45 = arith.constant 640 : i32
    %scan3A_46 = arith.addi %scan3A_44, %scan3A_45 : i32
    %scan3A_47 = arith.constant 1 : i32
    %scan3A_48 = scf.for %scan3A_164 = %scan3A_44 to %scan3A_46 step %scan3A_47 iter_args(%scan3A_165 = %scan3A_43) -> (i32)  : i32 {
      %mul3A_166 = arith.constant 16 : i32
      %mul3A_167 = arith.muli %scan3A_164, %mul3A_166 : i32
      %get3A = arith.index_cast %mul3A_167 : i32 to index
      %get3A_168 = tpu.vector_load %arg7[%get3A] {strides = array<i32>} : memref<10240xi32, #tpu.memory_space<vmem>>, vector<16xi32>,
      %get3A_169 = vector.shape_cast %get3A_168 : vector<16xi32> to vector<16xi32>
      %add3A_170 = vector.broadcast %scan3A_42 : i32 to vector<16xi32>
      %add3A_171 = arith.addi %get3A_169, %add3A_170 : vector<16xi32>
      %swap3A = arith.index_cast %mul3A_167 : i32 to index
      %swap3A_172 = tpu.vector_load %arg8[%swap3A] {strides = array<i32>} : memref<10240xi32, #tpu.memory_space<vmem>>, vector<16xi32>,
      %swap3A_173 = vector.shape_cast %swap3A_172 : vector<16xi32> to vector<16xi32>
      %swap3A_174 = vector.shape_cast %add3A_171 : vector<16xi32> to vector<16xi32>
      tpu.vector_store %arg8[%swap3A], %swap3A_174 {strides = array<i32>} : memref<10240xi32, #tpu.memory_space<vmem>>, vector<16xi32>,
      %scan3A_175 = arith.constant 0 : i32
      scf.yield %scan3A_175 : i32
    }
    %scan3A_49 = arith.constant 640 : i32
    %dma_start3A_50 = arith.constant 2 : i32
    %dma_start3A_51 = arith.constant 0 : i32
    %dma_start3A_52 = tpu.memref_slice %arg9[%dma_start3A_50, %dma_start3A_51] : memref<8x10240xi32, #tpu.memory_space<vmem>> -> memref<1x10240xi32, #tpu.memory_space<vmem>>
    %dma_start3A_53 = tpu.memref_squeeze %dma_start3A_52 : memref<1x10240xi32, #tpu.memory_space<vmem>> -> memref<10240xi32, #tpu.memory_space<vmem>>
    %dma_start3A_54 = arith.constant 0 : i32
    %dma_start3A_55 = tpu.memref_slice %arg3[%dma_start3A_54] : memref<8000512xi32, #tpu.memory_space<hbm>> -> memref<8000512xi32, #tpu.memory_space<hbm>>
    tpu.enqueue_indirect_dma source(%dma_start3A_55 : memref<8000512xi32, #tpu.memory_space<hbm>>) target(%dma_start3A_53 : memref<10240xi32, #tpu.memory_space<vmem>>) offsets(%arg8 : memref<10240xi32, #tpu.memory_space<vmem>>) semaphore(%arg11 : memref<!tpu.dma_semaphore, #tpu.memory_space<semaphore_mem>>)
    %dma_wait3A_56 = arith.constant 2 : i32
    %dma_wait3A_57 = arith.constant 0 : i32
    %dma_wait3A_58 = tpu.memref_slice %arg9[%dma_wait3A_56, %dma_wait3A_57] : memref<8x10240xi32, #tpu.memory_space<vmem>> -> memref<1x10240xi32, #tpu.memory_space<vmem>>
    %dma_wait3A_59 = tpu.memref_squeeze %dma_wait3A_58 : memref<1x10240xi32, #tpu.memory_space<vmem>> -> memref<10240xi32, #tpu.memory_space<vmem>>
    %dma_wait3A_60 = arith.constant 0 : i32
    %dma_wait3A_61 = tpu.memref_slice %arg3[%dma_wait3A_60] : memref<8000512xi32, #tpu.memory_space<hbm>> -> memref<8000512xi32, #tpu.memory_space<hbm>>
    tpu.wait_indirect_dma semaphore(%arg11 : memref<!tpu.dma_semaphore, #tpu.memory_space<semaphore_mem>>) src(%dma_wait3A_61 : memref<8000512xi32, #tpu.memory_space<hbm>>) dst(%dma_wait3A_59 : memref<10240xi32, #tpu.memory_space<vmem>>)
    %scan3A_62 = arith.constant 3000192 : i32
    %scan3A_63 = arith.constant 0 : i32
    %scan3A_64 = arith.constant 0 : i32
    %scan3A_65 = arith.constant 640 : i32
    %scan3A_66 = arith.addi %scan3A_64, %scan3A_65 : i32
    %scan3A_67 = arith.constant 1 : i32
    %scan3A_68 = scf.for %scan3A_164 = %scan3A_64 to %scan3A_66 step %scan3A_67 iter_args(%scan3A_165 = %scan3A_63) -> (i32)  : i32 {
      %mul3A_166 = arith.constant 16 : i32
      %mul3A_167 = arith.muli %scan3A_164, %mul3A_166 : i32
      %get3A = arith.index_cast %mul3A_167 : i32 to index
      %get3A_168 = tpu.vector_load %arg7[%get3A] {strides = array<i32>} : memref<10240xi32, #tpu.memory_space<vmem>>, vector<16xi32>,
      %get3A_169 = vector.shape_cast %get3A_168 : vector<16xi32> to vector<16xi32>
      %add3A_170 = vector.broadcast %scan3A_62 : i32 to vector<16xi32>
      %add3A_171 = arith.addi %get3A_169, %add3A_170 : vector<16xi32>
      %swap3A = arith.index_cast %mul3A_167 : i32 to index
      %swap3A_172 = tpu.vector_load %arg8[%swap3A] {strides = array<i32>} : memref<10240xi32, #tpu.memory_space<vmem>>, vector<16xi32>,
      %swap3A_173 = vector.shape_cast %swap3A_172 : vector<16xi32> to vector<16xi32>
      %swap3A_174 = vector.shape_cast %add3A_171 : vector<16xi32> to vector<16xi32>
      tpu.vector_store %arg8[%swap3A], %swap3A_174 {strides = array<i32>} : memref<10240xi32, #tpu.memory_space<vmem>>, vector<16xi32>,
      %scan3A_175 = arith.constant 0 : i32
      scf.yield %scan3A_175 : i32
    }
    %scan3A_69 = arith.constant 640 : i32
    %dma_start3A_70 = arith.constant 3 : i32
    %dma_start3A_71 = arith.constant 0 : i32
    %dma_start3A_72 = tpu.memref_slice %arg9[%dma_start3A_70, %dma_start3A_71] : memref<8x10240xi32, #tpu.memory_space<vmem>> -> memref<1x10240xi32, #tpu.memory_space<vmem>>
    %dma_start3A_73 = tpu.memref_squeeze %dma_start3A_72 : memref<1x10240xi32, #tpu.memory_space<vmem>> -> memref<10240xi32, #tpu.memory_space<vmem>>
    %dma_start3A_74 = arith.constant 0 : i32
    %dma_start3A_75 = tpu.memref_slice %arg3[%dma_start3A_74] : memref<8000512xi32, #tpu.memory_space<hbm>> -> memref<8000512xi32, #tpu.memory_space<hbm>>
    tpu.enqueue_indirect_dma source(%dma_start3A_75 : memref<8000512xi32, #tpu.memory_space<hbm>>) target(%dma_start3A_73 : memref<10240xi32, #tpu.memory_space<vmem>>) offsets(%arg8 : memref<10240xi32, #tpu.memory_space<vmem>>) semaphore(%arg11 : memref<!tpu.dma_semaphore, #tpu.memory_space<semaphore_mem>>)
    %dma_wait3A_76 = arith.constant 3 : i32
    %dma_wait3A_77 = arith.constant 0 : i32
    %dma_wait3A_78 = tpu.memref_slice %arg9[%dma_wait3A_76, %dma_wait3A_77] : memref<8x10240xi32, #tpu.memory_space<vmem>> -> memref<1x10240xi32, #tpu.memory_space<vmem>>
    %dma_wait3A_79 = tpu.memref_squeeze %dma_wait3A_78 : memref<1x10240xi32, #tpu.memory_space<vmem>> -> memref<10240xi32, #tpu.memory_space<vmem>>
    %dma_wait3A_80 = arith.constant 0 : i32
    %dma_wait3A_81 = tpu.memref_slice %arg3[%dma_wait3A_80] : memref<8000512xi32, #tpu.memory_space<hbm>> -> memref<8000512xi32, #tpu.memory_space<hbm>>
    tpu.wait_indirect_dma semaphore(%arg11 : memref<!tpu.dma_semaphore, #tpu.memory_space<semaphore_mem>>) src(%dma_wait3A_81 : memref<8000512xi32, #tpu.memory_space<hbm>>) dst(%dma_wait3A_79 : memref<10240xi32, #tpu.memory_space<vmem>>)
    %scan3A_82 = arith.constant 4000256 : i32
    %scan3A_83 = arith.constant 0 : i32
    %scan3A_84 = arith.constant 0 : i32
    %scan3A_85 = arith.constant 640 : i32
    %scan3A_86 = arith.addi %scan3A_84, %scan3A_85 : i32
    %scan3A_87 = arith.constant 1 : i32
    %scan3A_88 = scf.for %scan3A_164 = %scan3A_84 to %scan3A_86 step %scan3A_87 iter_args(%scan3A_165 = %scan3A_83) -> (i32)  : i32 {
      %mul3A_166 = arith.constant 16 : i32
      %mul3A_167 = arith.muli %scan3A_164, %mul3A_166 : i32
      %get3A = arith.index_cast %mul3A_167 : i32 to index
      %get3A_168 = tpu.vector_load %arg7[%get3A] {strides = array<i32>} : memref<10240xi32, #tpu.memory_space<vmem>>, vector<16xi32>,
      %get3A_169 = vector.shape_cast %get3A_168 : vector<16xi32> to vector<16xi32>
      %add3A_170 = vector.broadcast %scan3A_82 : i32 to vector<16xi32>
      %add3A_171 = arith.addi %get3A_169, %add3A_170 : vector<16xi32>
      %swap3A = arith.index_cast %mul3A_167 : i32 to index
      %swap3A_172 = tpu.vector_load %arg8[%swap3A] {strides = array<i32>} : memref<10240xi32, #tpu.memory_space<vmem>>, vector<16xi32>,
      %swap3A_173 = vector.shape_cast %swap3A_172 : vector<16xi32> to vector<16xi32>
      %swap3A_174 = vector.shape_cast %add3A_171 : vector<16xi32> to vector<16xi32>
      tpu.vector_store %arg8[%swap3A], %swap3A_174 {strides = array<i32>} : memref<10240xi32, #tpu.memory_space<vmem>>, vector<16xi32>,
      %scan3A_175 = arith.constant 0 : i32
      scf.yield %scan3A_175 : i32
    }
    %scan3A_89 = arith.constant 640 : i32
    %dma_start3A_90 = arith.constant 4 : i32
    %dma_start3A_91 = arith.constant 0 : i32
    %dma_start3A_92 = tpu.memref_slice %arg9[%dma_start3A_90, %dma_start3A_91] : memref<8x10240xi32, #tpu.memory_space<vmem>> -> memref<1x10240xi32, #tpu.memory_space<vmem>>
    %dma_start3A_93 = tpu.memref_squeeze %dma_start3A_92 : memref<1x10240xi32, #tpu.memory_space<vmem>> -> memref<10240xi32, #tpu.memory_space<vmem>>
    %dma_start3A_94 = arith.constant 0 : i32
    %dma_start3A_95 = tpu.memref_slice %arg3[%dma_start3A_94] : memref<8000512xi32, #tpu.memory_space<hbm>> -> memref<8000512xi32, #tpu.memory_space<hbm>>
    tpu.enqueue_indirect_dma source(%dma_start3A_95 : memref<8000512xi32, #tpu.memory_space<hbm>>) target(%dma_start3A_93 : memref<10240xi32, #tpu.memory_space<vmem>>) offsets(%arg8 : memref<10240xi32, #tpu.memory_space<vmem>>) semaphore(%arg11 : memref<!tpu.dma_semaphore, #tpu.memory_space<semaphore_mem>>)
    %dma_wait3A_96 = arith.constant 4 : i32
    %dma_wait3A_97 = arith.constant 0 : i32
    %dma_wait3A_98 = tpu.memref_slice %arg9[%dma_wait3A_96, %dma_wait3A_97] : memref<8x10240xi32, #tpu.memory_space<vmem>> -> memref<1x10240xi32, #tpu.memory_space<vmem>>
    %dma_wait3A_99 = tpu.memref_squeeze %dma_wait3A_98 : memref<1x10240xi32, #tpu.memory_space<vmem>> -> memref<10240xi32, #tpu.memory_space<vmem>>
    %dma_wait3A_100 = arith.constant 0 : i32
    %dma_wait3A_101 = tpu.memref_slice %arg3[%dma_wait3A_100] : memref<8000512xi32, #tpu.memory_space<hbm>> -> memref<8000512xi32, #tpu.memory_space<hbm>>
    tpu.wait_indirect_dma semaphore(%arg11 : memref<!tpu.dma_semaphore, #tpu.memory_space<semaphore_mem>>) src(%dma_wait3A_101 : memref<8000512xi32, #tpu.memory_space<hbm>>) dst(%dma_wait3A_99 : memref<10240xi32, #tpu.memory_space<vmem>>)
    %scan3A_102 = arith.constant 5000320 : i32
    %scan3A_103 = arith.constant 0 : i32
    %scan3A_104 = arith.constant 0 : i32
    %scan3A_105 = arith.constant 640 : i32
    %scan3A_106 = arith.addi %scan3A_104, %scan3A_105 : i32
    %scan3A_107 = arith.constant 1 : i32
    %scan3A_108 = scf.for %scan3A_164 = %scan3A_104 to %scan3A_106 step %scan3A_107 iter_args(%scan3A_165 = %scan3A_103) -> (i32)  : i32 {
      %mul3A_166 = arith.constant 16 : i32
      %mul3A_167 = arith.muli %scan3A_164, %mul3A_166 : i32
      %get3A = arith.index_cast %mul3A_167 : i32 to index
      %get3A_168 = tpu.vector_load %arg7[%get3A] {strides = array<i32>} : memref<10240xi32, #tpu.memory_space<vmem>>, vector<16xi32>,
      %get3A_169 = vector.shape_cast %get3A_168 : vector<16xi32> to vector<16xi32>
      %add3A_170 = vector.broadcast %scan3A_102 : i32 to vector<16xi32>
      %add3A_171 = arith.addi %get3A_169, %add3A_170 : vector<16xi32>
      %swap3A = arith.index_cast %mul3A_167 : i32 to index
      %swap3A_172 = tpu.vector_load %arg8[%swap3A] {strides = array<i32>} : memref<10240xi32, #tpu.memory_space<vmem>>, vector<16xi32>,
      %swap3A_173 = vector.shape_cast %swap3A_172 : vector<16xi32> to vector<16xi32>
      %swap3A_174 = vector.shape_cast %add3A_171 : vector<16xi32> to vector<16xi32>
      tpu.vector_store %arg8[%swap3A], %swap3A_174 {strides = array<i32>} : memref<10240xi32, #tpu.memory_space<vmem>>, vector<16xi32>,
      %scan3A_175 = arith.constant 0 : i32
      scf.yield %scan3A_175 : i32
    }
    %scan3A_109 = arith.constant 640 : i32
    %dma_start3A_110 = arith.constant 5 : i32
    %dma_start3A_111 = arith.constant 0 : i32
    %dma_start3A_112 = tpu.memref_slice %arg9[%dma_start3A_110, %dma_start3A_111] : memref<8x10240xi32, #tpu.memory_space<vmem>> -> memref<1x10240xi32, #tpu.memory_space<vmem>>
    %dma_start3A_113 = tpu.memref_squeeze %dma_start3A_112 : memref<1x10240xi32, #tpu.memory_space<vmem>> -> memref<10240xi32, #tpu.memory_space<vmem>>
    %dma_start3A_114 = arith.constant 0 : i32
    %dma_start3A_115 = tpu.memref_slice %arg3[%dma_start3A_114] : memref<8000512xi32, #tpu.memory_space<hbm>> -> memref<8000512xi32, #tpu.memory_space<hbm>>
    tpu.enqueue_indirect_dma source(%dma_start3A_115 : memref<8000512xi32, #tpu.memory_space<hbm>>) target(%dma_start3A_113 : memref<10240xi32, #tpu.memory_space<vmem>>) offsets(%arg8 : memref<10240xi32, #tpu.memory_space<vmem>>) semaphore(%arg11 : memref<!tpu.dma_semaphore, #tpu.memory_space<semaphore_mem>>)
    %dma_wait3A_116 = arith.constant 5 : i32
    %dma_wait3A_117 = arith.constant 0 : i32
    %dma_wait3A_118 = tpu.memref_slice %arg9[%dma_wait3A_116, %dma_wait3A_117] : memref<8x10240xi32, #tpu.memory_space<vmem>> -> memref<1x10240xi32, #tpu.memory_space<vmem>>
    %dma_wait3A_119 = tpu.memref_squeeze %dma_wait3A_118 : memref<1x10240xi32, #tpu.memory_space<vmem>> -> memref<10240xi32, #tpu.memory_space<vmem>>
    %dma_wait3A_120 = arith.constant 0 : i32
    %dma_wait3A_121 = tpu.memref_slice %arg3[%dma_wait3A_120] : memref<8000512xi32, #tpu.memory_space<hbm>> -> memref<8000512xi32, #tpu.memory_space<hbm>>
    tpu.wait_indirect_dma semaphore(%arg11 : memref<!tpu.dma_semaphore, #tpu.memory_space<semaphore_mem>>) src(%dma_wait3A_121 : memref<8000512xi32, #tpu.memory_space<hbm>>) dst(%dma_wait3A_119 : memref<10240xi32, #tpu.memory_space<vmem>>)
    %scan3A_122 = arith.constant 6000384 : i32
    %scan3A_123 = arith.constant 0 : i32
    %scan3A_124 = arith.constant 0 : i32
    %scan3A_125 = arith.constant 640 : i32
    %scan3A_126 = arith.addi %scan3A_124, %scan3A_125 : i32
    %scan3A_127 = arith.constant 1 : i32
    %scan3A_128 = scf.for %scan3A_164 = %scan3A_124 to %scan3A_126 step %scan3A_127 iter_args(%scan3A_165 = %scan3A_123) -> (i32)  : i32 {
      %mul3A_166 = arith.constant 16 : i32
      %mul3A_167 = arith.muli %scan3A_164, %mul3A_166 : i32
      %get3A = arith.index_cast %mul3A_167 : i32 to index
      %get3A_168 = tpu.vector_load %arg7[%get3A] {strides = array<i32>} : memref<10240xi32, #tpu.memory_space<vmem>>, vector<16xi32>,
      %get3A_169 = vector.shape_cast %get3A_168 : vector<16xi32> to vector<16xi32>
      %add3A_170 = vector.broadcast %scan3A_122 : i32 to vector<16xi32>
      %add3A_171 = arith.addi %get3A_169, %add3A_170 : vector<16xi32>
      %swap3A = arith.index_cast %mul3A_167 : i32 to index
      %swap3A_172 = tpu.vector_load %arg8[%swap3A] {strides = array<i32>} : memref<10240xi32, #tpu.memory_space<vmem>>, vector<16xi32>,
      %swap3A_173 = vector.shape_cast %swap3A_172 : vector<16xi32> to vector<16xi32>
      %swap3A_174 = vector.shape_cast %add3A_171 : vector<16xi32> to vector<16xi32>
      tpu.vector_store %arg8[%swap3A], %swap3A_174 {strides = array<i32>} : memref<10240xi32, #tpu.memory_space<vmem>>, vector<16xi32>,
      %scan3A_175 = arith.constant 0 : i32
      scf.yield %scan3A_175 : i32
    }
    %scan3A_129 = arith.constant 640 : i32
    %dma_start3A_130 = arith.constant 6 : i32
    %dma_start3A_131 = arith.constant 0 : i32
    %dma_start3A_132 = tpu.memref_slice %arg9[%dma_start3A_130, %dma_start3A_131] : memref<8x10240xi32, #tpu.memory_space<vmem>> -> memref<1x10240xi32, #tpu.memory_space<vmem>>
    %dma_start3A_133 = tpu.memref_squeeze %dma_start3A_132 : memref<1x10240xi32, #tpu.memory_space<vmem>> -> memref<10240xi32, #tpu.memory_space<vmem>>
    %dma_start3A_134 = arith.constant 0 : i32
    %dma_start3A_135 = tpu.memref_slice %arg3[%dma_start3A_134] : memref<8000512xi32, #tpu.memory_space<hbm>> -> memref<8000512xi32, #tpu.memory_space<hbm>>
    tpu.enqueue_indirect_dma source(%dma_start3A_135 : memref<8000512xi32, #tpu.memory_space<hbm>>) target(%dma_start3A_133 : memref<10240xi32, #tpu.memory_space<vmem>>) offsets(%arg8 : memref<10240xi32, #tpu.memory_space<vmem>>) semaphore(%arg11 : memref<!tpu.dma_semaphore, #tpu.memory_space<semaphore_mem>>)
    %dma_wait3A_136 = arith.constant 6 : i32
    %dma_wait3A_137 = arith.constant 0 : i32
    %dma_wait3A_138 = tpu.memref_slice %arg9[%dma_wait3A_136, %dma_wait3A_137] : memref<8x10240xi32, #tpu.memory_space<vmem>> -> memref<1x10240xi32, #tpu.memory_space<vmem>>
    %dma_wait3A_139 = tpu.memref_squeeze %dma_wait3A_138 : memref<1x10240xi32, #tpu.memory_space<vmem>> -> memref<10240xi32, #tpu.memory_space<vmem>>
    %dma_wait3A_140 = arith.constant 0 : i32
    %dma_wait3A_141 = tpu.memref_slice %arg3[%dma_wait3A_140] : memref<8000512xi32, #tpu.memory_space<hbm>> -> memref<8000512xi32, #tpu.memory_space<hbm>>
    tpu.wait_indirect_dma semaphore(%arg11 : memref<!tpu.dma_semaphore, #tpu.memory_space<semaphore_mem>>) src(%dma_wait3A_141 : memref<8000512xi32, #tpu.memory_space<hbm>>) dst(%dma_wait3A_139 : memref<10240xi32, #tpu.memory_space<vmem>>)
    %scan3A_142 = arith.constant 7000448 : i32
    %scan3A_143 = arith.constant 0 : i32
    %scan3A_144 = arith.constant 0 : i32
    %scan3A_145 = arith.constant 640 : i32
    %scan3A_146 = arith.addi %scan3A_144, %scan3A_145 : i32
    %scan3A_147 = arith.constant 1 : i32
    %scan3A_148 = scf.for %scan3A_164 = %scan3A_144 to %scan3A_146 step %scan3A_147 iter_args(%scan3A_165 = %scan3A_143) -> (i32)  : i32 {
      %mul3A_166 = arith.constant 16 : i32
      %mul3A_167 = arith.muli %scan3A_164, %mul3A_166 : i32
      %get3A = arith.index_cast %mul3A_167 : i32 to index
      %get3A_168 = tpu.vector_load %arg7[%get3A] {strides = array<i32>} : memref<10240xi32, #tpu.memory_space<vmem>>, vector<16xi32>,
      %get3A_169 = vector.shape_cast %get3A_168 : vector<16xi32> to vector<16xi32>
      %add3A_170 = vector.broadcast %scan3A_142 : i32 to vector<16xi32>
      %add3A_171 = arith.addi %get3A_169, %add3A_170 : vector<16xi32>
      %swap3A = arith.index_cast %mul3A_167 : i32 to index
      %swap3A_172 = tpu.vector_load %arg8[%swap3A] {strides = array<i32>} : memref<10240xi32, #tpu.memory_space<vmem>>, vector<16xi32>,
      %swap3A_173 = vector.shape_cast %swap3A_172 : vector<16xi32> to vector<16xi32>
      %swap3A_174 = vector.shape_cast %add3A_171 : vector<16xi32> to vector<16xi32>
      tpu.vector_store %arg8[%swap3A], %swap3A_174 {strides = array<i32>} : memref<10240xi32, #tpu.memory_space<vmem>>, vector<16xi32>,
      %scan3A_175 = arith.constant 0 : i32
      scf.yield %scan3A_175 : i32
    }
    %scan3A_149 = arith.constant 640 : i32
    %dma_start3A_150 = arith.constant 7 : i32
    %dma_start3A_151 = arith.constant 0 : i32
    %dma_start3A_152 = tpu.memref_slice %arg9[%dma_start3A_150, %dma_start3A_151] : memref<8x10240xi32, #tpu.memory_space<vmem>> -> memref<1x10240xi32, #tpu.memory_space<vmem>>
    %dma_start3A_153 = tpu.memref_squeeze %dma_start3A_152 : memref<1x10240xi32, #tpu.memory_space<vmem>> -> memref<10240xi32, #tpu.memory_space<vmem>>
    %dma_start3A_154 = arith.constant 0 : i32
    %dma_start3A_155 = tpu.memref_slice %arg3[%dma_start3A_154] : memref<8000512xi32, #tpu.memory_space<hbm>> -> memref<8000512xi32, #tpu.memory_space<hbm>>
    tpu.enqueue_indirect_dma source(%dma_start3A_155 : memref<8000512xi32, #tpu.memory_space<hbm>>) target(%dma_start3A_153 : memref<10240xi32, #tpu.memory_space<vmem>>) offsets(%arg8 : memref<10240xi32, #tpu.memory_space<vmem>>) semaphore(%arg11 : memref<!tpu.dma_semaphore, #tpu.memory_space<semaphore_mem>>)
    %dma_wait3A_156 = arith.constant 7 : i32
    %dma_wait3A_157 = arith.constant 0 : i32
    %dma_wait3A_158 = tpu.memref_slice %arg9[%dma_wait3A_156, %dma_wait3A_157] : memref<8x10240xi32, #tpu.memory_space<vmem>> -> memref<1x10240xi32, #tpu.memory_space<vmem>>
    %dma_wait3A_159 = tpu.memref_squeeze %dma_wait3A_158 : memref<1x10240xi32, #tpu.memory_space<vmem>> -> memref<10240xi32, #tpu.memory_space<vmem>>
    %dma_wait3A_160 = arith.constant 0 : i32
    %dma_wait3A_161 = tpu.memref_slice %arg3[%dma_wait3A_160] : memref<8000512xi32, #tpu.memory_space<hbm>> -> memref<8000512xi32, #tpu.memory_space<hbm>>
    tpu.wait_indirect_dma semaphore(%arg11 : memref<!tpu.dma_semaphore, #tpu.memory_space<semaphore_mem>>) src(%dma_wait3A_161 : memref<8000512xi32, #tpu.memory_space<hbm>>) dst(%dma_wait3A_159 : memref<10240xi32, #tpu.memory_space<vmem>>)
    %dma_wait3A_162 = arith.constant 0 : i32
    %dma_wait3A_163 = tpu.memref_slice %arg4[%dma_wait3A_162] : memref<1000000xf32, #tpu.memory_space<hbm>> -> memref<1000000xf32, #tpu.memory_space<hbm>>
    tpu.wait_indirect_dma semaphore(%arg12 : memref<!tpu.dma_semaphore, #tpu.memory_space<semaphore_mem>>) src(%dma_wait3A_163 : memref<1000000xf32, #tpu.memory_space<hbm>>) dst(%arg10 : memref<10240xf32, #tpu.memory_space<vmem>>)
    "tpu.region"() ({
      %run_scoped3A = tpu.sem_alloc : memref<!tpu.dma_semaphore, #tpu.memory_space<semaphore_mem>>
      %dma_start3A_164 = arith.constant 0 : i32
      %dma_start3A_165 = tpu.memref_slice %arg5[%dma_start3A_164, %mul3A_2] : memref<8x327680xi32, #tpu.memory_space<hbm>> -> memref<8x10240xi32, #tpu.memory_space<hbm>>
      %dma_start3A_166 = arith.constant 0 : i32
      %dma_start3A_167 = tpu.memref_slice %arg5[%dma_start3A_166, %mul3A_2] : memref<8x327680xi32, #tpu.memory_space<hbm>> -> memref<8x10240xi32, #tpu.memory_space<hbm>>
      tpu.enqueue_dma source(%arg9 : memref<8x10240xi32, #tpu.memory_space<vmem>>) target(%dma_start3A_167 : memref<8x10240xi32, #tpu.memory_space<hbm>>) target_semaphore(%run_scoped3A : memref<!tpu.dma_semaphore, #tpu.memory_space<semaphore_mem>>)
      %dma_wait3A_168 = arith.constant 0 : i32
      %dma_wait3A_169 = tpu.memref_slice %arg5[%dma_wait3A_168, %mul3A_2] : memref<8x327680xi32, #tpu.memory_space<hbm>> -> memref<8x10240xi32, #tpu.memory_space<hbm>>
      %dma_wait3A_170 = arith.constant 0 : i32
      %dma_wait3A_171 = tpu.memref_slice %arg5[%dma_wait3A_170, %mul3A_2] : memref<8x327680xi32, #tpu.memory_space<hbm>> -> memref<8x10240xi32, #tpu.memory_space<hbm>>
      tpu.wait_dma2 semaphore(%run_scoped3A : memref<!tpu.dma_semaphore, #tpu.memory_space<semaphore_mem>>) src(%arg9 : memref<8x10240xi32, #tpu.memory_space<vmem>>) dst(%dma_wait3A_171 : memref<8x10240xi32, #tpu.memory_space<hbm>>)
      tpu.yield
    }) : () -> ()
    "tpu.region"() ({
      %run_scoped3A = tpu.sem_alloc : memref<!tpu.dma_semaphore, #tpu.memory_space<semaphore_mem>>
      %dma_start3A_164 = tpu.memref_slice %arg6[%mul3A_2] : memref<327680xf32, #tpu.memory_space<hbm>> -> memref<10240xf32, #tpu.memory_space<hbm>>
      %dma_start3A_165 = tpu.memref_slice %arg6[%mul3A_2] : memref<327680xf32, #tpu.memory_space<hbm>> -> memref<10240xf32, #tpu.memory_space<hbm>>
      tpu.enqueue_dma source(%arg10 : memref<10240xf32, #tpu.memory_space<vmem>>) target(%dma_start3A_165 : memref<10240xf32, #tpu.memory_space<hbm>>) target_semaphore(%run_scoped3A : memref<!tpu.dma_semaphore, #tpu.memory_space<semaphore_mem>>)
      %dma_wait3A_166 = tpu.memref_slice %arg6[%mul3A_2] : memref<327680xf32, #tpu.memory_space<hbm>> -> memref<10240xf32, #tpu.memory_space<hbm>>
      %dma_wait3A_167 = tpu.memref_slice %arg6[%mul3A_2] : memref<327680xf32, #tpu.memory_space<hbm>> -> memref<10240xf32, #tpu.memory_space<hbm>>
      tpu.wait_dma2 semaphore(%run_scoped3A : memref<!tpu.dma_semaphore, #tpu.memory_space<semaphore_mem>>) src(%arg10 : memref<10240xf32, #tpu.memory_space<vmem>>) dst(%dma_wait3A_167 : memref<10240xf32, #tpu.memory_space<hbm>>)
      tpu.yield
    }) : () -> ()
    return
  }
}

module attributes {stable_mosaic.version = 14 : i64} {
  func.func @_repack_body(%arg0: i32, %arg1: memref<32x16384xi8, #tpu.memory_space<vmem>>, %arg2: memref<8x16384xi32, #tpu.memory_space<vmem>>) attributes {dimension_semantics = [#tpu.dimension_semantics<arbitrary>], iteration_bounds = array<i64: 62>, scalar_prefetch = 0 : i64, scratch_operands = 0 : i64, tpu.core_type = #tpu.core_type<tc>, window_params = [{transform_indices = @transform_0, window_bounds = array<i64: 32, 16384>}, {transform_indices = @transform_1, window_bounds = array<i64: 8, 16384>}]} {
    %get3A = arith.constant 0 : index
    %get3A_0 = arith.constant 0 : index
    %get3A_1 = vector.load %arg1[%get3A, %get3A_0] : memref<32x16384xi8, #tpu.memory_space<vmem>>, vector<32x16384xi8>
    %convert_element_type3A = arith.extui %get3A_1 : vector<32x16384xi8> to vector<32x16384xi32>
    %slice3A = vector.extract_strided_slice %convert_element_type3A {offsets = [0, 0], sizes = [1, 16384], strides = [1, 1]} : vector<32x16384xi32> to vector<1x16384xi32>
    %slice3A_2 = vector.extract_strided_slice %convert_element_type3A {offsets = [1, 0], sizes = [1, 16384], strides = [1, 1]} : vector<32x16384xi32> to vector<1x16384xi32>
    %slice3A_3 = vector.extract_strided_slice %convert_element_type3A {offsets = [2, 0], sizes = [1, 16384], strides = [1, 1]} : vector<32x16384xi32> to vector<1x16384xi32>
    %slice3A_4 = vector.extract_strided_slice %convert_element_type3A {offsets = [3, 0], sizes = [1, 16384], strides = [1, 1]} : vector<32x16384xi32> to vector<1x16384xi32>
    %shift_left3A = arith.constant 8 : i32
    %shift_left3A_5 = vector.broadcast %shift_left3A : i32 to vector<1x16384xi32>
    %shift_left3A_6 = arith.shli %slice3A_2, %shift_left3A_5 : vector<1x16384xi32>
    %or3A = arith.ori %slice3A, %shift_left3A_6 : vector<1x16384xi32>
    %shift_left3A_7 = arith.constant 16 : i32
    %shift_left3A_8 = vector.broadcast %shift_left3A_7 : i32 to vector<1x16384xi32>
    %shift_left3A_9 = arith.shli %slice3A_3, %shift_left3A_8 : vector<1x16384xi32>
    %or3A_10 = arith.ori %or3A, %shift_left3A_9 : vector<1x16384xi32>
    %shift_left3A_11 = arith.constant 24 : i32
    %shift_left3A_12 = vector.broadcast %shift_left3A_11 : i32 to vector<1x16384xi32>
    %shift_left3A_13 = arith.shli %slice3A_4, %shift_left3A_12 : vector<1x16384xi32>
    %or3A_14 = arith.ori %or3A_10, %shift_left3A_13 : vector<1x16384xi32>
    %slice3A_15 = vector.extract_strided_slice %convert_element_type3A {offsets = [4, 0], sizes = [1, 16384], strides = [1, 1]} : vector<32x16384xi32> to vector<1x16384xi32>
    %slice3A_16 = vector.extract_strided_slice %convert_element_type3A {offsets = [5, 0], sizes = [1, 16384], strides = [1, 1]} : vector<32x16384xi32> to vector<1x16384xi32>
    %slice3A_17 = vector.extract_strided_slice %convert_element_type3A {offsets = [6, 0], sizes = [1, 16384], strides = [1, 1]} : vector<32x16384xi32> to vector<1x16384xi32>
    %slice3A_18 = vector.extract_strided_slice %convert_element_type3A {offsets = [7, 0], sizes = [1, 16384], strides = [1, 1]} : vector<32x16384xi32> to vector<1x16384xi32>
    %shift_left3A_19 = arith.constant 8 : i32
    %shift_left3A_20 = vector.broadcast %shift_left3A_19 : i32 to vector<1x16384xi32>
    %shift_left3A_21 = arith.shli %slice3A_16, %shift_left3A_20 : vector<1x16384xi32>
    %or3A_22 = arith.ori %slice3A_15, %shift_left3A_21 : vector<1x16384xi32>
    %shift_left3A_23 = arith.constant 16 : i32
    %shift_left3A_24 = vector.broadcast %shift_left3A_23 : i32 to vector<1x16384xi32>
    %shift_left3A_25 = arith.shli %slice3A_17, %shift_left3A_24 : vector<1x16384xi32>
    %or3A_26 = arith.ori %or3A_22, %shift_left3A_25 : vector<1x16384xi32>
    %shift_left3A_27 = arith.constant 24 : i32
    %shift_left3A_28 = vector.broadcast %shift_left3A_27 : i32 to vector<1x16384xi32>
    %shift_left3A_29 = arith.shli %slice3A_18, %shift_left3A_28 : vector<1x16384xi32>
    %or3A_30 = arith.ori %or3A_26, %shift_left3A_29 : vector<1x16384xi32>
    %slice3A_31 = vector.extract_strided_slice %convert_element_type3A {offsets = [8, 0], sizes = [1, 16384], strides = [1, 1]} : vector<32x16384xi32> to vector<1x16384xi32>
    %slice3A_32 = vector.extract_strided_slice %convert_element_type3A {offsets = [9, 0], sizes = [1, 16384], strides = [1, 1]} : vector<32x16384xi32> to vector<1x16384xi32>
    %slice3A_33 = vector.extract_strided_slice %convert_element_type3A {offsets = [10, 0], sizes = [1, 16384], strides = [1, 1]} : vector<32x16384xi32> to vector<1x16384xi32>
    %slice3A_34 = vector.extract_strided_slice %convert_element_type3A {offsets = [11, 0], sizes = [1, 16384], strides = [1, 1]} : vector<32x16384xi32> to vector<1x16384xi32>
    %shift_left3A_35 = arith.constant 8 : i32
    %shift_left3A_36 = vector.broadcast %shift_left3A_35 : i32 to vector<1x16384xi32>
    %shift_left3A_37 = arith.shli %slice3A_32, %shift_left3A_36 : vector<1x16384xi32>
    %or3A_38 = arith.ori %slice3A_31, %shift_left3A_37 : vector<1x16384xi32>
    %shift_left3A_39 = arith.constant 16 : i32
    %shift_left3A_40 = vector.broadcast %shift_left3A_39 : i32 to vector<1x16384xi32>
    %shift_left3A_41 = arith.shli %slice3A_33, %shift_left3A_40 : vector<1x16384xi32>
    %or3A_42 = arith.ori %or3A_38, %shift_left3A_41 : vector<1x16384xi32>
    %shift_left3A_43 = arith.constant 24 : i32
    %shift_left3A_44 = vector.broadcast %shift_left3A_43 : i32 to vector<1x16384xi32>
    %shift_left3A_45 = arith.shli %slice3A_34, %shift_left3A_44 : vector<1x16384xi32>
    %or3A_46 = arith.ori %or3A_42, %shift_left3A_45 : vector<1x16384xi32>
    %slice3A_47 = vector.extract_strided_slice %convert_element_type3A {offsets = [12, 0], sizes = [1, 16384], strides = [1, 1]} : vector<32x16384xi32> to vector<1x16384xi32>
    %slice3A_48 = vector.extract_strided_slice %convert_element_type3A {offsets = [13, 0], sizes = [1, 16384], strides = [1, 1]} : vector<32x16384xi32> to vector<1x16384xi32>
    %slice3A_49 = vector.extract_strided_slice %convert_element_type3A {offsets = [14, 0], sizes = [1, 16384], strides = [1, 1]} : vector<32x16384xi32> to vector<1x16384xi32>
    %slice3A_50 = vector.extract_strided_slice %convert_element_type3A {offsets = [15, 0], sizes = [1, 16384], strides = [1, 1]} : vector<32x16384xi32> to vector<1x16384xi32>
    %shift_left3A_51 = arith.constant 8 : i32
    %shift_left3A_52 = vector.broadcast %shift_left3A_51 : i32 to vector<1x16384xi32>
    %shift_left3A_53 = arith.shli %slice3A_48, %shift_left3A_52 : vector<1x16384xi32>
    %or3A_54 = arith.ori %slice3A_47, %shift_left3A_53 : vector<1x16384xi32>
    %shift_left3A_55 = arith.constant 16 : i32
    %shift_left3A_56 = vector.broadcast %shift_left3A_55 : i32 to vector<1x16384xi32>
    %shift_left3A_57 = arith.shli %slice3A_49, %shift_left3A_56 : vector<1x16384xi32>
    %or3A_58 = arith.ori %or3A_54, %shift_left3A_57 : vector<1x16384xi32>
    %shift_left3A_59 = arith.constant 24 : i32
    %shift_left3A_60 = vector.broadcast %shift_left3A_59 : i32 to vector<1x16384xi32>
    %shift_left3A_61 = arith.shli %slice3A_50, %shift_left3A_60 : vector<1x16384xi32>
    %or3A_62 = arith.ori %or3A_58, %shift_left3A_61 : vector<1x16384xi32>
    %slice3A_63 = vector.extract_strided_slice %convert_element_type3A {offsets = [16, 0], sizes = [1, 16384], strides = [1, 1]} : vector<32x16384xi32> to vector<1x16384xi32>
    %slice3A_64 = vector.extract_strided_slice %convert_element_type3A {offsets = [17, 0], sizes = [1, 16384], strides = [1, 1]} : vector<32x16384xi32> to vector<1x16384xi32>
    %slice3A_65 = vector.extract_strided_slice %convert_element_type3A {offsets = [18, 0], sizes = [1, 16384], strides = [1, 1]} : vector<32x16384xi32> to vector<1x16384xi32>
    %slice3A_66 = vector.extract_strided_slice %convert_element_type3A {offsets = [19, 0], sizes = [1, 16384], strides = [1, 1]} : vector<32x16384xi32> to vector<1x16384xi32>
    %shift_left3A_67 = arith.constant 8 : i32
    %shift_left3A_68 = vector.broadcast %shift_left3A_67 : i32 to vector<1x16384xi32>
    %shift_left3A_69 = arith.shli %slice3A_64, %shift_left3A_68 : vector<1x16384xi32>
    %or3A_70 = arith.ori %slice3A_63, %shift_left3A_69 : vector<1x16384xi32>
    %shift_left3A_71 = arith.constant 16 : i32
    %shift_left3A_72 = vector.broadcast %shift_left3A_71 : i32 to vector<1x16384xi32>
    %shift_left3A_73 = arith.shli %slice3A_65, %shift_left3A_72 : vector<1x16384xi32>
    %or3A_74 = arith.ori %or3A_70, %shift_left3A_73 : vector<1x16384xi32>
    %shift_left3A_75 = arith.constant 24 : i32
    %shift_left3A_76 = vector.broadcast %shift_left3A_75 : i32 to vector<1x16384xi32>
    %shift_left3A_77 = arith.shli %slice3A_66, %shift_left3A_76 : vector<1x16384xi32>
    %or3A_78 = arith.ori %or3A_74, %shift_left3A_77 : vector<1x16384xi32>
    %slice3A_79 = vector.extract_strided_slice %convert_element_type3A {offsets = [20, 0], sizes = [1, 16384], strides = [1, 1]} : vector<32x16384xi32> to vector<1x16384xi32>
    %slice3A_80 = vector.extract_strided_slice %convert_element_type3A {offsets = [21, 0], sizes = [1, 16384], strides = [1, 1]} : vector<32x16384xi32> to vector<1x16384xi32>
    %slice3A_81 = vector.extract_strided_slice %convert_element_type3A {offsets = [22, 0], sizes = [1, 16384], strides = [1, 1]} : vector<32x16384xi32> to vector<1x16384xi32>
    %slice3A_82 = vector.extract_strided_slice %convert_element_type3A {offsets = [23, 0], sizes = [1, 16384], strides = [1, 1]} : vector<32x16384xi32> to vector<1x16384xi32>
    %shift_left3A_83 = arith.constant 8 : i32
    %shift_left3A_84 = vector.broadcast %shift_left3A_83 : i32 to vector<1x16384xi32>
    %shift_left3A_85 = arith.shli %slice3A_80, %shift_left3A_84 : vector<1x16384xi32>
    %or3A_86 = arith.ori %slice3A_79, %shift_left3A_85 : vector<1x16384xi32>
    %shift_left3A_87 = arith.constant 16 : i32
    %shift_left3A_88 = vector.broadcast %shift_left3A_87 : i32 to vector<1x16384xi32>
    %shift_left3A_89 = arith.shli %slice3A_81, %shift_left3A_88 : vector<1x16384xi32>
    %or3A_90 = arith.ori %or3A_86, %shift_left3A_89 : vector<1x16384xi32>
    %shift_left3A_91 = arith.constant 24 : i32
    %shift_left3A_92 = vector.broadcast %shift_left3A_91 : i32 to vector<1x16384xi32>
    %shift_left3A_93 = arith.shli %slice3A_82, %shift_left3A_92 : vector<1x16384xi32>
    %or3A_94 = arith.ori %or3A_90, %shift_left3A_93 : vector<1x16384xi32>
    %slice3A_95 = vector.extract_strided_slice %convert_element_type3A {offsets = [24, 0], sizes = [1, 16384], strides = [1, 1]} : vector<32x16384xi32> to vector<1x16384xi32>
    %slice3A_96 = vector.extract_strided_slice %convert_element_type3A {offsets = [25, 0], sizes = [1, 16384], strides = [1, 1]} : vector<32x16384xi32> to vector<1x16384xi32>
    %slice3A_97 = vector.extract_strided_slice %convert_element_type3A {offsets = [26, 0], sizes = [1, 16384], strides = [1, 1]} : vector<32x16384xi32> to vector<1x16384xi32>
    %slice3A_98 = vector.extract_strided_slice %convert_element_type3A {offsets = [27, 0], sizes = [1, 16384], strides = [1, 1]} : vector<32x16384xi32> to vector<1x16384xi32>
    %shift_left3A_99 = arith.constant 8 : i32
    %shift_left3A_100 = vector.broadcast %shift_left3A_99 : i32 to vector<1x16384xi32>
    %shift_left3A_101 = arith.shli %slice3A_96, %shift_left3A_100 : vector<1x16384xi32>
    %or3A_102 = arith.ori %slice3A_95, %shift_left3A_101 : vector<1x16384xi32>
    %shift_left3A_103 = arith.constant 16 : i32
    %shift_left3A_104 = vector.broadcast %shift_left3A_103 : i32 to vector<1x16384xi32>
    %shift_left3A_105 = arith.shli %slice3A_97, %shift_left3A_104 : vector<1x16384xi32>
    %or3A_106 = arith.ori %or3A_102, %shift_left3A_105 : vector<1x16384xi32>
    %shift_left3A_107 = arith.constant 24 : i32
    %shift_left3A_108 = vector.broadcast %shift_left3A_107 : i32 to vector<1x16384xi32>
    %shift_left3A_109 = arith.shli %slice3A_98, %shift_left3A_108 : vector<1x16384xi32>
    %or3A_110 = arith.ori %or3A_106, %shift_left3A_109 : vector<1x16384xi32>
    %slice3A_111 = vector.extract_strided_slice %convert_element_type3A {offsets = [28, 0], sizes = [1, 16384], strides = [1, 1]} : vector<32x16384xi32> to vector<1x16384xi32>
    %slice3A_112 = vector.extract_strided_slice %convert_element_type3A {offsets = [29, 0], sizes = [1, 16384], strides = [1, 1]} : vector<32x16384xi32> to vector<1x16384xi32>
    %slice3A_113 = vector.extract_strided_slice %convert_element_type3A {offsets = [30, 0], sizes = [1, 16384], strides = [1, 1]} : vector<32x16384xi32> to vector<1x16384xi32>
    %slice3A_114 = vector.extract_strided_slice %convert_element_type3A {offsets = [31, 0], sizes = [1, 16384], strides = [1, 1]} : vector<32x16384xi32> to vector<1x16384xi32>
    %shift_left3A_115 = arith.constant 8 : i32
    %shift_left3A_116 = vector.broadcast %shift_left3A_115 : i32 to vector<1x16384xi32>
    %shift_left3A_117 = arith.shli %slice3A_112, %shift_left3A_116 : vector<1x16384xi32>
    %or3A_118 = arith.ori %slice3A_111, %shift_left3A_117 : vector<1x16384xi32>
    %shift_left3A_119 = arith.constant 16 : i32
    %shift_left3A_120 = vector.broadcast %shift_left3A_119 : i32 to vector<1x16384xi32>
    %shift_left3A_121 = arith.shli %slice3A_113, %shift_left3A_120 : vector<1x16384xi32>
    %or3A_122 = arith.ori %or3A_118, %shift_left3A_121 : vector<1x16384xi32>
    %shift_left3A_123 = arith.constant 24 : i32
    %shift_left3A_124 = vector.broadcast %shift_left3A_123 : i32 to vector<1x16384xi32>
    %shift_left3A_125 = arith.shli %slice3A_114, %shift_left3A_124 : vector<1x16384xi32>
    %or3A_126 = arith.ori %or3A_122, %shift_left3A_125 : vector<1x16384xi32>
    %concatenate3A = tpu.concatenate %or3A_14, %or3A_30, %or3A_46, %or3A_62, %or3A_78, %or3A_94, %or3A_110, %or3A_126 in 0 : vector<1x16384xi32>, vector<1x16384xi32>, vector<1x16384xi32>, vector<1x16384xi32>, vector<1x16384xi32>, vector<1x16384xi32>, vector<1x16384xi32>, vector<1x16384xi32> -> vector<8x16384xi32>
    %swap3A = arith.constant 0 : index
    %swap3A_127 = arith.constant 0 : index
    %swap3A_128 = vector.load %arg2[%swap3A, %swap3A_127] : memref<8x16384xi32, #tpu.memory_space<vmem>>, vector<8x16384xi32>
    tpu.vector_store %arg2[%swap3A, %swap3A_127], %concatenate3A {strides = array<i32>} : memref<8x16384xi32, #tpu.memory_space<vmem>>, vector<8x16384xi32>,
    return
  }
  func.func @transform_0(%arg0: i32) -> (i32, i32) {
    %c0_i32 = arith.constant 0 : i32
    %c0_i32_0 = arith.constant 0 : i32
    return %c0_i32, %arg0 : i32, i32
  }
  func.func @transform_1(%arg0: i32) -> (i32, i32) {
    %c0_i32 = arith.constant 0 : i32
    %c0_i32_0 = arith.constant 0 : i32
    return %c0_i32, %arg0 : i32, i32
  }
}

module attributes {stable_mosaic.version = 14 : i64} {
  func.func @_tc_body(%arg0: i32, %arg1: i32, %arg2: memref<8x2048xi32, #tpu.memory_space<vmem>>, %arg3: memref<2048xf32, #tpu.memory_space<vmem>>, %arg4: memref<16xf32, #tpu.memory_space<vmem>>, %arg5: memref<64x64xf32, #tpu.memory_space<vmem>>, %arg6: memref<1x64x2048xf32, #tpu.memory_space<vmem>>) attributes {dimension_semantics = [#tpu.dimension_semantics<arbitrary>, #tpu.dimension_semantics<arbitrary>], iteration_bounds = array<i64: 20, 8>, scalar_prefetch = 0 : i64, scratch_operands = 0 : i64, tpu.core_type = #tpu.core_type<tc>, window_params = [{transform_indices = @transform_0, window_bounds = array<i64: 8, 2048>}, {transform_indices = @transform_1, window_bounds = array<i64: 2048>}, {pipeline_mode = #tpu.pipeline_mode<synchronous>, transform_indices = @transform_2, window_bounds = array<i64: 16>}, {pipeline_mode = #tpu.pipeline_mode<synchronous>, transform_indices = @transform_3, window_bounds = array<i64: 64, 64>}, {transform_indices = @transform_4, window_bounds = array<i64: 1, 64, 2048>}]} {
    %get3A = arith.constant 0 : index
    %get3A_0 = arith.constant 0 : index
    %get3A_1 = vector.load %arg2[%get3A, %get3A_0] : memref<8x2048xi32, #tpu.memory_space<vmem>>, vector<8x2048xi32>
    %shift_right_arithmetic3A = arith.constant 0 : i32
    %shift_right_arithmetic3A_2 = vector.broadcast %shift_right_arithmetic3A : i32 to vector<8x2048xi32>
    %shift_right_arithmetic3A_3 = arith.shrsi %get3A_1, %shift_right_arithmetic3A_2 : vector<8x2048xi32>
    %and3A = arith.constant 15 : i32
    %and3A_4 = vector.broadcast %and3A : i32 to vector<8x2048xi32>
    %and3A_5 = arith.andi %shift_right_arithmetic3A_3, %and3A_4 : vector<8x2048xi32>
    %shift_right_arithmetic3A_6 = arith.constant 4 : i32
    %shift_right_arithmetic3A_7 = vector.broadcast %shift_right_arithmetic3A_6 : i32 to vector<8x2048xi32>
    %shift_right_arithmetic3A_8 = arith.shrsi %get3A_1, %shift_right_arithmetic3A_7 : vector<8x2048xi32>
    %and3A_9 = arith.constant 15 : i32
    %and3A_10 = vector.broadcast %and3A_9 : i32 to vector<8x2048xi32>
    %and3A_11 = arith.andi %shift_right_arithmetic3A_8, %and3A_10 : vector<8x2048xi32>
    %shift_right_arithmetic3A_12 = arith.constant 8 : i32
    %shift_right_arithmetic3A_13 = vector.broadcast %shift_right_arithmetic3A_12 : i32 to vector<8x2048xi32>
    %shift_right_arithmetic3A_14 = arith.shrsi %get3A_1, %shift_right_arithmetic3A_13 : vector<8x2048xi32>
    %and3A_15 = arith.constant 15 : i32
    %and3A_16 = vector.broadcast %and3A_15 : i32 to vector<8x2048xi32>
    %and3A_17 = arith.andi %shift_right_arithmetic3A_14, %and3A_16 : vector<8x2048xi32>
    %shift_right_arithmetic3A_18 = arith.constant 12 : i32
    %shift_right_arithmetic3A_19 = vector.broadcast %shift_right_arithmetic3A_18 : i32 to vector<8x2048xi32>
    %shift_right_arithmetic3A_20 = arith.shrsi %get3A_1, %shift_right_arithmetic3A_19 : vector<8x2048xi32>
    %and3A_21 = arith.constant 15 : i32
    %and3A_22 = vector.broadcast %and3A_21 : i32 to vector<8x2048xi32>
    %and3A_23 = arith.andi %shift_right_arithmetic3A_20, %and3A_22 : vector<8x2048xi32>
    %shift_right_arithmetic3A_24 = arith.constant 16 : i32
    %shift_right_arithmetic3A_25 = vector.broadcast %shift_right_arithmetic3A_24 : i32 to vector<8x2048xi32>
    %shift_right_arithmetic3A_26 = arith.shrsi %get3A_1, %shift_right_arithmetic3A_25 : vector<8x2048xi32>
    %and3A_27 = arith.constant 15 : i32
    %and3A_28 = vector.broadcast %and3A_27 : i32 to vector<8x2048xi32>
    %and3A_29 = arith.andi %shift_right_arithmetic3A_26, %and3A_28 : vector<8x2048xi32>
    %shift_right_arithmetic3A_30 = arith.constant 20 : i32
    %shift_right_arithmetic3A_31 = vector.broadcast %shift_right_arithmetic3A_30 : i32 to vector<8x2048xi32>
    %shift_right_arithmetic3A_32 = arith.shrsi %get3A_1, %shift_right_arithmetic3A_31 : vector<8x2048xi32>
    %and3A_33 = arith.constant 15 : i32
    %and3A_34 = vector.broadcast %and3A_33 : i32 to vector<8x2048xi32>
    %and3A_35 = arith.andi %shift_right_arithmetic3A_32, %and3A_34 : vector<8x2048xi32>
    %shift_right_arithmetic3A_36 = arith.constant 24 : i32
    %shift_right_arithmetic3A_37 = vector.broadcast %shift_right_arithmetic3A_36 : i32 to vector<8x2048xi32>
    %shift_right_arithmetic3A_38 = arith.shrsi %get3A_1, %shift_right_arithmetic3A_37 : vector<8x2048xi32>
    %and3A_39 = arith.constant 15 : i32
    %and3A_40 = vector.broadcast %and3A_39 : i32 to vector<8x2048xi32>
    %and3A_41 = arith.andi %shift_right_arithmetic3A_38, %and3A_40 : vector<8x2048xi32>
    %shift_right_arithmetic3A_42 = arith.constant 28 : i32
    %shift_right_arithmetic3A_43 = vector.broadcast %shift_right_arithmetic3A_42 : i32 to vector<8x2048xi32>
    %shift_right_arithmetic3A_44 = arith.shrsi %get3A_1, %shift_right_arithmetic3A_43 : vector<8x2048xi32>
    %and3A_45 = arith.constant 15 : i32
    %and3A_46 = vector.broadcast %and3A_45 : i32 to vector<8x2048xi32>
    %and3A_47 = arith.andi %shift_right_arithmetic3A_44, %and3A_46 : vector<8x2048xi32>
    %concatenate3A = tpu.concatenate %and3A_5, %and3A_11, %and3A_17, %and3A_23, %and3A_29, %and3A_35, %and3A_41, %and3A_47 in 0 : vector<8x2048xi32>, vector<8x2048xi32>, vector<8x2048xi32>, vector<8x2048xi32>, vector<8x2048xi32>, vector<8x2048xi32>, vector<8x2048xi32>, vector<8x2048xi32> -> vector<64x2048xi32>
    %get3A_48 = arith.constant 0 : index
    %get3A_49 = vector.load %arg4[%get3A_48] : memref<16xf32, #tpu.memory_space<vmem>>, vector<16xf32>
    %broadcast_in_dim3A = vector.shape_cast %get3A_49 : vector<16xf32> to vector<1x16xf32>
    %broadcast_in_dim3A_50 = vector.shape_cast %broadcast_in_dim3A : vector<1x16xf32> to vector<1x16xf32>
    %broadcast_in_dim3A_51 = vector.broadcast %broadcast_in_dim3A_50 : vector<1x16xf32> to vector<64x16xf32>
    %lt3A = arith.constant 0 : i32
    %lt3A_52 = vector.broadcast %lt3A : i32 to vector<64x2048xi32>
    %lt3A_53 = arith.cmpi slt, %concatenate3A, %lt3A_52 : vector<64x2048xi32>
    %add3A = arith.constant 16 : i32
    %add3A_54 = vector.broadcast %add3A : i32 to vector<64x2048xi32>
    %add3A_55 = arith.addi %concatenate3A, %add3A_54 : vector<64x2048xi32>
    %select_n3A = arith.select %lt3A_53, %add3A_55, %concatenate3A : vector<64x2048xi1>, vector<64x2048xi32>
    %reshape3A = vector.shape_cast %select_n3A : vector<64x2048xi32> to vector<64x2048x1xi32>
    %gather3A = vector.shape_cast %reshape3A : vector<64x2048x1xi32> to vector<64x2048xi32>
    %gather3A_56 = tpu.dynamic_gather %broadcast_in_dim3A_51[%gather3A] in [1] : vector<64x16xf32>, vector<64x2048xi32> -> vector<64x2048xf32>
    %get3A_57 = arith.constant 0 : index
    %get3A_58 = arith.constant 0 : index
    %get3A_59 = vector.load %arg5[%get3A_57, %get3A_58] : memref<64x64xf32, #tpu.memory_space<vmem>>, vector<64x64xf32>
    %dot_general3A = arith.constant dense<0.000000e+00> : vector<64x2048xf32>
    %dot_general3A_60 = tpu.matmul %get3A_59, %gather3A_56, %dot_general3A {dimension_numbers = #tpu.dot_dimension_numbers<[0], [0], [1], [1], [0, 1, 1, 1], [], []>, transpose_lhs_hint = false} : vector<64x64xf32>, vector<64x2048xf32>, vector<64x2048xf32> -> vector<64x2048xf32>
    %get3A_61 = arith.constant 0 : index
    %get3A_62 = vector.load %arg3[%get3A_61] : memref<2048xf32, #tpu.memory_space<vmem>>, vector<2048xf32>
    %broadcast_in_dim3A_63 = vector.shape_cast %get3A_62 : vector<2048xf32> to vector<1x2048xf32>
    %mul3A = vector.broadcast %broadcast_in_dim3A_63 : vector<1x2048xf32> to vector<64x2048xf32>
    %mul3A_64 = arith.mulf %dot_general3A_60, %mul3A : vector<64x2048xf32>
    %swap3A = arith.constant 0 : index
    %swap3A_65 = arith.constant 0 : index
    %swap3A_66 = arith.constant 0 : index
    %swap3A_67 = vector.load %arg6[%swap3A, %swap3A_65, %swap3A_66] : memref<1x64x2048xf32, #tpu.memory_space<vmem>>, vector<1x64x2048xf32>
    %swap3A_68 = vector.shape_cast %swap3A_67 : vector<1x64x2048xf32> to vector<64x2048xf32>
    %swap3A_69 = vector.shape_cast %mul3A_64 : vector<64x2048xf32> to vector<1x64x2048xf32>
    tpu.vector_store %arg6[%swap3A, %swap3A_65, %swap3A_66], %swap3A_69 {strides = array<i32>} : memref<1x64x2048xf32, #tpu.memory_space<vmem>>, vector<1x64x2048xf32>,
    return
  }
  func.func @transform_0(%arg0: i32, %arg1: i32) -> (i32, i32) {
    %mul3A = arith.constant 8 : i32
    %mul3A_0 = arith.muli %arg0, %mul3A : i32
    %add3A = arith.addi %mul3A_0, %arg1 : i32
    %c0_i32 = arith.constant 0 : i32
    %c0_i32_1 = arith.constant 0 : i32
    return %c0_i32, %add3A : i32, i32
  }
  func.func @transform_1(%arg0: i32, %arg1: i32) -> i32 {
    %mul3A = arith.constant 8 : i32
    %mul3A_0 = arith.muli %arg0, %mul3A : i32
    %add3A = arith.addi %mul3A_0, %arg1 : i32
    %c0_i32 = arith.constant 0 : i32
    return %add3A : i32
  }
  func.func @transform_2(%arg0: i32, %arg1: i32) -> i32 {
    %c0_i32 = arith.constant 0 : i32
    %c0_i32_0 = arith.constant 0 : i32
    return %c0_i32 : i32
  }
  func.func @transform_3(%arg0: i32, %arg1: i32) -> (i32, i32) {
    %c0_i32 = arith.constant 0 : i32
    %c0_i32_0 = arith.constant 0 : i32
    %c0_i32_1 = arith.constant 0 : i32
    return %c0_i32, %c0_i32_0 : i32, i32
  }
  func.func @transform_4(%arg0: i32, %arg1: i32) -> (i32, i32, i32) {
    %c0_i32 = arith.constant 0 : i32
    %c0_i32_0 = arith.constant 0 : i32
    return %arg0, %c0_i32, %arg1 : i32, i32, i32
  }
}

</mosaic_0001>

<sc_bundles>
// kernel: kernel.5.cloned.1.call-start
scs
__scs_entry_jumppad:
0x0: {  	(pc) =	sbr.rel $0x88, $3  }
0x1: {  	(tag) =	ssettag $0x0;
	lr =	simm.s32 $0x1  }
0x2: {  	[smem:$0x3F9D] =	sst lr;
	_ =	strace $0xD0000000  }
0x3: {  	_ = 	snop  }
0x4: {  	_ = 	snop  }
0x5: {  	_ = 	snop  }
0x6: {  	_ = 	snop  }
0x7: {  	_ = 	snop  }
__scs_overlays_trampoline_lowered:
0x8: {  	[smem:$0x3FAC] =	sst s0  }
0x9: {  	[smem:$0x3FAD] =	sst s1  }
0xa: {  	[smem:$0x3FAE] =	sst s2  }
0xb: {  	[smem:$0x3FAF] =	sst s3  }
0xc: {  	[smem:$0x3FB0] =	sst s4  }
0xd: {  	[smem:$0x3FB1] =	sst s5  }
0xe: {  	[smem:$0x3FB2] =	sst s6  }
0xf: {  	[smem:$0x3FB3] =	sst s7  }
0x10: {  	[smem:$0x3FB4] =	sst s8  }
0x11: {  	[smem:$0x3FB5] =	sst s9;
	s0 =	simm.s32 @!p0 $0x0  }
0x12: {  	s1 =	sld [smem:$0x3F9B];
	s0 =	simm.s32 @p0 $0x1  }
0x13: {  	[smem:$0x3FB6] =	sst s0;
	s0 =	simm.s32 @!p1 $0x0  }
0x14: {  	s2 =	sld [smem:$0x3F9A];
	s0 =	simm.s32 @p1 $0x1  }
0x15: {  	[smem:$0x3FB7] =	sst s0;
	s0 =	simm.s32 @!p2 $0x0  }
0x16: {  	s3 =	sld [smem:$0x3FDB];
	s0 =	simm.s32 @p2 $0x1  }
0x17: {  	s4 =	simm.s32 $0x1BF5;
	[smem:$0x3FB9] =	sst s0  }
0x18: {  	s0 =	sld [smem:$0x3F9C];
	_ =	swait.ge [sflag:s4], $0x0  }
0x19: {  	s7 =	sld [smem:$0x3F9D]  }
0x1a: {  	s8 =	sadd.s32 $0xFFFFE003, lr  }
0x1b: {  	s9 =	sadd.s32 $0xFFFFFEF7, lr;
	s5 =	simm.s32 $0xFFFFFFFF;
	p2 =	slt.u32 s8, $0xFFFFF086  }
0x1c: {  	p1 =	slt.u32 s9, $0xF7A;
	s5 =	simm.s32 @!p2 $0x0  }
0x1d: {  	s5 =	simm.s32 @p1 $0x1;
	p0 =	seq.s32 s7, s2  }
0x1e: {  	s7 =	smul.u32 @!p0 $0xF7A, s2;
	p2 =	seq.s32 @!p0 s5, $0x0  }
0x1f: {  	s9 =	smul.u32 $0xF7A, s1;
	s8 =	simm.s32 @!p0 $0x1BF5;
	p2 =	por !p2, p0  }
0x20: {  	[sflag:s8] =	ssyncset.s32 @!p0 $0xFFFFF086;
	s6 =	sadd.s32 @!p0 s3, s7;
	s7 =	simm.s32 @!p0 $0x108  }
0x21: {  	s3 =	sadd.s32 s3, s9;
	s6 =	sadd.s32 @!p0 $0x88, s6;
	s7 =	simm.s32 @p2 $0x1082  }
0x22: {  	[simem:s7], [sflag:s8] =	dma.local @!p0 [hbm:s6], $0xF7A  }
0x23: {  	s9 =	sor.u32 $0xD0000000, s2;
	s6 =	simm.s32 $0x108;
	_ =	swait.ge @!p0 [sflag:s8], $0x0  }
0x24: {  	s3 =	sadd.s32 $0x88, s3;
	s6 =	simm.s32 @!p1 $0x1082;
	[sflag:s4] =	ssyncset.s32 $0xFFFFF086  }
0x25: {  	[simem:s6], [sflag:s4] =	dma.local [hbm:s3], $0xF7A  }
0x26: {  	[smem:$0x3F9D] =	sst s1;
	(tag) =	ssettag s2;
	_ =	strace s9  }
0x27: {  	s1 =	sld [smem:$0x3FAD]  }
0x28: {  	s2 =	sld [smem:$0x3FAE]  }
0x29: {  	s4 =	sld [smem:$0x3FB0]  }
0x2a: {  	p0 =	seq.s32 s5, $0x0;
	s5 =	sld [smem:$0x3FB1]  }
0x2b: {  	s6 =	sld [smem:$0x3FB2]  }
0x2c: {  	s7 =	sld [smem:$0x3FB3]  }
0x2d: {  	s3 =	simm.s32 $0x108;
	s8 =	sld [smem:$0x3FB4]  }
0x2e: {  	s3 =	simm.s32 @!p0 $0x1082;
	s9 =	sld [smem:$0x3FB5]  }
0x2f: {  	lr =	sadd.s32 s0, s3;
	s0 =	sld [smem:$0x3FAC]  }
0x30: {  	s3 =	sld [smem:$0x3FAF]  }
0x31: {  	[smem:$0x3FB8] =	sst s10  }
0x32: {  	s10 =	sld [smem:$0x3FB6];
	_ =	sdelay $0x3  }
0x33: {  	p0 =	seq.s32 s10, $0x1;
	s10 =	sld [smem:$0x3FB8];
	_ =	sdelay $0x3  }
0x34: {  	[smem:$0x3FB8] =	sst s10  }
0x35: {  	s10 =	sld [smem:$0x3FB7];
	_ =	sdelay $0x3  }
0x36: {  	p1 =	seq.s32 s10, $0x1;
	s10 =	sld [smem:$0x3FB8];
	_ =	sdelay $0x3  }
0x37: {  	[smem:$0x3FB8] =	sst s10  }
0x38: {  	s10 =	sld [smem:$0x3FB9]  }
0x39: {  	_ = 	snop;
	(pc) =	sbr.ind lr, $3  }
0x3a: {  	_ = 	snop  }
0x3b: {  	_ = 	snop  }
0x3c: {  	p2 =	seq.s32 s10, $0x1;
	s10 =	sld [smem:$0x3FB8]  }
0x3d: {  	_ =	shalt  }
0x3e: {  	_ =	shalt  }
0x3f: {  	_ =	shalt  }
0x40: {  	_ =	shalt  }
0x41: {  	_ =	shalt  }
0x42: {  	_ =	shalt  }
0x43: {  	_ =	shalt  }
0x44: {  	_ =	shalt  }
0x45: {  	_ =	shalt  }
0x46: {  	_ =	shalt  }
0x47: {  	_ =	shalt  }
0x48: {  	_ =	shalt  }
0x49: {  	_ =	shalt  }
0x4a: {  	_ =	shalt  }
0x4b: {  	_ =	shalt  }
0x4c: {  	_ =	shalt  }
0x4d: {  	_ =	shalt  }
0x4e: {  	_ =	shalt  }
0x4f: {  	_ =	shalt  }
0x50: {  	_ =	shalt  }
0x51: {  	_ =	shalt  }
0x52: {  	_ =	shalt  }
0x53: {  	_ =	shalt  }
0x54: {  	_ =	shalt  }
0x55: {  	_ =	shalt  }
0x56: {  	_ =	shalt  }
0x57: {  	_ =	shalt  }
0x58: {  	_ =	shalt  }
0x59: {  	_ =	shalt  }
0x5a: {  	_ =	shalt  }
0x5b: {  	_ =	shalt  }
0x5c: {  	_ =	shalt  }
0x5d: {  	_ =	shalt  }
0x5e: {  	_ =	shalt  }
0x5f: {  	_ =	shalt  }
0x60: {  	_ =	shalt  }
0x61: {  	_ =	shalt  }
0x62: {  	_ =	shalt  }
0x63: {  	_ =	shalt  }
0x64: {  	_ =	shalt  }
0x65: {  	_ =	shalt  }
0x66: {  	_ =	shalt  }
0x67: {  	_ =	shalt  }
0x68: {  	_ =	shalt  }
0x69: {  	_ =	shalt  }
0x6a: {  	_ =	shalt  }
0x6b: {  	_ =	shalt  }
0x6c: {  	_ =	shalt  }
0x6d: {  	_ =	shalt  }
0x6e: {  	_ =	shalt  }
0x6f: {  	_ =	shalt  }
0x70: {  	_ =	shalt  }
0x71: {  	_ =	shalt  }
0x72: {  	_ =	shalt  }
0x73: {  	_ =	shalt  }
0x74: {  	_ =	shalt  }
0x75: {  	_ =	shalt  }
0x76: {  	_ =	shalt  }
0x77: {  	_ =	shalt  }
0x78: {  	_ =	shalt  }
0x79: {  	_ =	shalt  }
0x7a: {  	_ =	shalt  }
0x7b: {  	_ =	shalt  }
0x7c: {  	_ =	shalt  }
0x7d: {  	_ =	shalt  }
0x7e: {  	_ =	shalt  }
0x7f: {  	_ =	shalt  }
0x80: {  	_ =	shalt  }
0x81: {  	_ =	shalt  }
0x82: {  	_ =	shalt  }
0x83: {  	_ =	shalt  }
0x84: {  	_ =	shalt  }
0x85: {  	_ =	shalt  }
0x86: {  	_ =	shalt  }
0x87: {  	_ =	shalt  }
.Lfunc_end0:
.L_simem_size_0:
called_computation_lowered:
.L_overlay_start_0:
0x88: {  	s2 =	sld [smem:$0x3FD9]  }
0x89: {  	s3 =	sld [smem:$0x3FFE];
	_ =	sdelay $0x1  }
0x8a: {  	s1 =	srdreg.scid  }
0x8b: {  	s0 =	sand.u32 $0x1, s1  }
0x8c: {  	s17 =	sshll.u32 s0, $0xA;
	s2 =	sadd.s32 s3, s2  }
0x8d: {  	s2 =	sadd.s32 s2, s17  }
0x8e: {  	[smem:$0x3FC4] =	sst s2  }
0x8f: {  	_ = 	snop  }
0x90: {  	s2 =	sld [smem:$0x3FC7]  }
0x91: {  	s18 =	sld [smem:$0x3FD0];
	(tm) =	ssettm $0x1  }
0x92: {  	s4 =	sld [smem:$0x3FFB];
	_ =	sdelay $0x3  }
0x93: {  	_ =	strace s4  }
0x94: {  	s4 =	sld [smem:$0x3FFC];
	_ =	sdelay $0x3  }
0x95: {  	_ =	strace s4  }
0x96: {  	s4 =	sld [smem:$0x3FFD];
	_ =	sdelay $0x3  }
0x97: {  	_ =	strace s4  }
0x98: {  	_ =	strace $0x8FFFFFFF  }
0x99: {  	s19 =	sld [smem:$0x3FDB];
	_ =	sdelay $0x1  }
0x9a: {  	s5 =	simm.s32 $_scs_section_size  }
0x9b: {  	s6 =	simm.s32 $_size__tile_overlayer_lowered;
	s7 =	simm.s32 $_tile_overlayer_lowered  }
0x9c: {  	s22 =	simm.s32 $0x1BFF;
	s21 =	sshll.u32 s7, $0x1;
	s4 =	sadd.s32 s5, s19  }
0x9d: {  	s8 =	simm.s32 $0x0;
	s20 =	sshll.u32 s6, $0x1;
	s6 =	sadd.s32 s21, s4  }
0x9e: {  	[timem:s8], [sflag:s22] =	dma.local [hbm:s6], s20  }
0x9f: {  	_ =	swait.ge [sflag:s22], s20  }
0xa0: {  	s5 =	ssub.s32 $0x0, s20;
	[sflag:s22] =	ssyncset.done $0x0  }
0xa1: {  	[sflag:s22] =	ssyncadd.s32 s5;
	_ =	sdelay $0x1  }
0xa2: {  	s23 =	simm.s32 $0x1B8B  }
0xa3: {  	_ =	swait.ge [sflag:s23], $0x1  }
0xa4: {  	[sflag:s23] =	ssyncset.done $0x0  }
0xa5: {  	s25 =	simm.s32 $0x1B8E;
	s24 =	sld [smem:$0x3FFE];
	[sflag:s23] =	ssyncadd.s32 $0xFFFFFFFF  }
0xa6: {  	s26 =	simm.s32 $execute0_lowered;
	[smem:$0x3FD2] =	sst s25  }
0xa7: {  	s6 =	sshll.u32 s26, $0x1;
	_ =	strace $0x80000046;
	[dreg:$0x1] =	wrdreg $0xFFFFFFFF  }
0xa8: {  	s28 =	simm.s32 $_size_execute0_lowered;
	s4 =	sadd.s32 s4, s6;
	[dreg:$0x0] =	wrdreg $0x0  }
0xa9: {  	s6 =	sshll.u32 s28, $0x1;
	[dreg:$0x2] =	wrdreg s4  }
0xaa: {  	[dreg:$0x3] =	wrdreg s6  }
0xab: {  	[dreg:$0x4] =	wrdreg $0xC0  }
0xac: {  	_ =	task [dreg:s8], $0x5FFFF  }
0xad: {  	[dreg:$0x1] =	wrdreg $0xFFFFFFFF  }
0xae: {  	[dreg:$0x0] =	wrdreg $0x60  }
0xaf: {  	[dreg:$0x2] =	wrdreg s24  }
0xb0: {  	[dreg:$0x3] =	wrdreg s2  }
0xb1: {  	[dreg:$0x4] =	wrdreg s18  }
0xb2: {  	[dreg:$0x5] =	wrdreg $0x9  }
0xb3: {  	_ =	task.clear_ibuf [dreg:s8], $0x6FFFF;
	_ =	strace $0x90000046  }
0xb4: {  	s29 =	simm.s32 $0x9;
	_ =	strace $0x80000048  }
0xb5: {  	_ =	swait.ge [sflag:s29], $0x1  }
0xb6: {  	[sflag:s29] =	ssyncadd.s32 $0xFFFFFFFF  }
0xb7: {  	_ =	strace $0x90000048  }
0xb8: {  	_ =	sfence  }
0xb9: {  	s30 =	sld [smem:$0x0];
	_ =	sdelay $0x2  }
0xba: {  	s31 =	sshll.u32 s1, $0xD;
	s1 =	sshrl.u32 s1, $0x2  }
0xbb: {  	s3 =	sand.u32 $0x4000, s31;
	s1 =	sadd.s32 s1, s30  }
0xbc: {  	s0 =	sor.u32 s3, s0;
	s1 =	sshll.u32 s1, $0x11  }
0xbd: {  	s0 =	sor.u32 s1, s0  }
0xbe: {  	s0 =	sadd.s32 $0x8F2B, s0  }
0xbf: {  	[sflag:s0] =	ssyncadd.remote.s32 $0x1  }
0xc0: {  	_ =	sfence.sel $0xFFFF  }
0xc1: {  	[dreg:$0x0] =	wrdreg $0xFFFFFFFF;
	(pc) =	sbr.abs _section_cstart, $3  }
0xc2: {  	[dreg:$0x1] =	wrdreg $0xFFFFFFFF  }
0xc3: {  	_ =	task.clear_ibuf [dreg:s8], $0x2FFFF;
	_ =	strace $0x9FFFFFFF  }
0xc4: {  	(tm) =	ssettm $0x7FFFFFFF  }
0xc5: {  	_ =	shalt  }
tec
execute0_lowered:
.L_overlay_start_1:
0x0: {  	(tag) =	ssettag $0x1  }
0x1: {  	s4 =	rddreg [dreg:$0x0];
	s1 =	srdreg.scid  }
0x2: {  	s0 =	stileid.u32;
	s2 =	rddreg [dreg:$0x1]  }
0x3: {  	s6 =	rddreg [dreg:$0x2];
	s3 =	simm.s32 $0x0;
	s10 =	simm.s32 $0x2800  }
0x4: {  	s11 =	simm.s32 $0x19000;
	s12 =	simm.s32 $0x5000;
	s13 =	simm.s32 $0x1  }
0x5: {  	s14 =	simm.s32 $0x7800;
	s15 =	simm.s32 $0xA000;
	s16 =	simm.s32 $0xC800  }
0x6: {  	s17 =	simm.s32 $0xF000;
	s18 =	simm.s32 $0x11800;
	s19 =	simm.s32 $0x14000  }
0x7: {  	s20 =	simm.s32 $0x16800;
	s5 =	sand.u32 $0x1, s1;
	s31 =	sshll.u32 s0, $0x1  }
0x8: {  	s21 =	simm.s32 $0x2;
	s22 =	simm.s32 $0x50000;
	s7 =	sor.u32 s5, s31  }
0x9: {  	s1 =	rddreg [dreg:$0x3];
	s5 =	ssub.s32 $0x2, s5;
	s7 =	smul.u32 $0x500, s7  }
0xa: {  	s23 =	simm.s32 $0x0;
	[smem:$0x7FF] =	sst s3;
	s9 =	sshrl.u32 s5, $0x1  }
0xb: {  	_ =	strace $0x80000047;
	s9 =	ssub.s32 s5, s9;
	s8 =	sadd.s32 s7, s4  }
0xc: {  	s4 =	sadd.s32 $0xE00, s4;
	s6 =	sadd.s32 s6, s7;
	s5 =	sadd.s32 $0xF5200, s8  }
0xd: {  	s7 =	sadd.s32 $0xFF200, s8;
	s8 =	smax.u32 s9, $0x1;
	s9 =	simm.s32 $0x3  }
.LBB2_1:
0xe: {  	[tilespmem:s3], [sflag:$0x3] =	stream.linear.gather [hbm4b:s5+s3], $0x2800, $0x38;
	[tilespmem:$0x1B800] =	vst v63  }
0xf: {  	_ =	swait.ge [sflag:s9], $0x2800  }
0x10: {  	[sflag:s9] =	ssyncset.done $0x0  }
0x11: {  	s24 =	simm.s32 $0x0;
	[sflag:s9] =	ssyncadd.s32 $0xFFFFD800  }
0x12: {  	[tilespmem:s11], [sflag:$0x2] =	stream.indirect.gather [hbm4b:s2+s10], $0x1, s3, s10, $0xb8;
	[tilespmem:$0x1B800] =	vst v63  }
0x13: {  	s25 =	simm.s32 $0x40;
	v0 =	vld [tilespmem:s24+$0x0]  }
.LBB2_2:
0x14: {  	p0 =	sne.s32 s25, $0x9FC0  }
.Ltmp0:
0x15: {  	_ = 	snop;
	(pc) =	sbr.rel @p0 .LBB2_2-.Ltmp0, $3  }
0x16: {  	_ =	sdelay $0x1  }
0x17: {  	[tilespmem:s24+$0x2800] =	vst v0;
	s24 =	sshra.s32 s25, $0x2;
	s25 =	sadd.s32 $0x40, s25  }
0x18: {  	v0 =	vld [tilespmem:s24+$0x0]  }
0x19: {  	_ =	sdelay $0x3  }
0x1a: {  	[tilespmem:s24+$0x2800] =	vst v0  }
0x1b: {  	[tilespmem:s12], [sflag:$0x1] =	stream.indirect.gather [hbm4b:s4+s10], $0x1, s10, s10, $0xb8;
	[tilespmem:$0x1B800] =	vst v63  }
0x1c: {  	_ =	swait.ge [sflag:s13], $0x2800  }
0x1d: {  	[sflag:s13] =	ssyncset.done $0x0  }
0x1e: {  	s24 =	simm.s32 $0x0;
	[sflag:s13] =	ssyncadd.s32 $0xFFFFD800  }
0x1f: {  	s25 =	simm.s32 $0x40;
	v0 =	vld [tilespmem:s24+$0x0]  }
.LBB2_4:
0x20: {  	p0 =	sne.s32 s25, $0x9FC0  }
.Ltmp1:
0x21: {  	_ = 	snop;
	(pc) =	sbr.rel @p0 .LBB2_4-.Ltmp1, $3  }
0x22: {  	_ =	sdelay $0x1  }
0x23: {  	s26 =	sshra.s32 s25, $0x2;
	s25 =	sadd.s32 $0x40, s25;
	v1 =	vadd.s32 $0xF4280, v0  }
0x24: {  	v0 =	vld [tilespmem:s26+$0x0];
	[tilespmem:s24+$0x2800] =	vst v1;
	s24 =	smov.u32 s26  }
0x25: {  	_ =	sdelay $0x3  }
0x26: {  	v0 =	vadd.s32 $0xF4280, v0  }
0x27: {  	[tilespmem:s24+$0x2800] =	vst v0  }
0x28: {  	[tilespmem:s14], [sflag:$0x1] =	stream.indirect.gather [hbm4b:s4+s10], $0x1, s10, s10, $0xb8;
	[tilespmem:$0x1B800] =	vst v63  }
0x29: {  	_ =	swait.ge [sflag:s13], $0x2800  }
0x2a: {  	[sflag:s13] =	ssyncset.done $0x0  }
0x2b: {  	s24 =	simm.s32 $0x0;
	[sflag:s13] =	ssyncadd.s32 $0xFFFFD800  }
0x2c: {  	s25 =	simm.s32 $0x40;
	v0 =	vld [tilespmem:s24+$0x0]  }
.LBB2_6:
0x2d: {  	p0 =	sne.s32 s25, $0x9FC0  }
.Ltmp2:
0x2e: {  	_ = 	snop;
	(pc) =	sbr.rel @p0 .LBB2_6-.Ltmp2, $3  }
0x2f: {  	_ =	sdelay $0x1  }
0x30: {  	s26 =	sshra.s32 s25, $0x2;
	s25 =	sadd.s32 $0x40, s25;
	v1 =	vadd.s32 $0x1E8500, v0  }
0x31: {  	v0 =	vld [tilespmem:s26+$0x0];
	[tilespmem:s24+$0x2800] =	vst v1;
	s24 =	smov.u32 s26  }
0x32: {  	_ =	sdelay $0x3  }
0x33: {  	v0 =	vadd.s32 $0x1E8500, v0  }
0x34: {  	[tilespmem:s24+$0x2800] =	vst v0  }
0x35: {  	[tilespmem:s15], [sflag:$0x1] =	stream.indirect.gather [hbm4b:s4+s10], $0x1, s10, s10, $0xb8;
	[tilespmem:$0x1B800] =	vst v63  }
0x36: {  	_ =	swait.ge [sflag:s13], $0x2800  }
0x37: {  	[sflag:s13] =	ssyncset.done $0x0  }
0x38: {  	s24 =	simm.s32 $0x0;
	[sflag:s13] =	ssyncadd.s32 $0xFFFFD800  }
0x39: {  	s25 =	simm.s32 $0x40;
	v0 =	vld [tilespmem:s24+$0x0]  }
.LBB2_8:
0x3a: {  	p0 =	sne.s32 s25, $0x9FC0  }
.Ltmp3:
0x3b: {  	_ = 	snop;
	(pc) =	sbr.rel @p0 .LBB2_8-.Ltmp3, $3  }
0x3c: {  	_ =	sdelay $0x1  }
0x3d: {  	s26 =	sshra.s32 s25, $0x2;
	s25 =	sadd.s32 $0x40, s25;
	v1 =	vadd.s32 $0x2DC780, v0  }
0x3e: {  	v0 =	vld [tilespmem:s26+$0x0];
	[tilespmem:s24+$0x2800] =	vst v1;
	s24 =	smov.u32 s26  }
0x3f: {  	_ =	sdelay $0x3  }
0x40: {  	v0 =	vadd.s32 $0x2DC780, v0  }
0x41: {  	[tilespmem:s24+$0x2800] =	vst v0  }
0x42: {  	[tilespmem:s16], [sflag:$0x1] =	stream.indirect.gather [hbm4b:s4+s10], $0x1, s10, s10, $0xb8;
	[tilespmem:$0x1B800] =	vst v63  }
0x43: {  	_ =	swait.ge [sflag:s13], $0x2800  }
0x44: {  	[sflag:s13] =	ssyncset.done $0x0  }
0x45: {  	s24 =	simm.s32 $0x0;
	[sflag:s13] =	ssyncadd.s32 $0xFFFFD800  }
0x46: {  	s25 =	simm.s32 $0x40;
	v0 =	vld [tilespmem:s24+$0x0]  }
.LBB2_10:
0x47: {  	p0 =	sne.s32 s25, $0x9FC0  }
.Ltmp4:
0x48: {  	_ = 	snop;
	(pc) =	sbr.rel @p0 .LBB2_10-.Ltmp4, $3  }
0x49: {  	_ =	sdelay $0x1  }
0x4a: {  	s26 =	sshra.s32 s25, $0x2;
	s25 =	sadd.s32 $0x40, s25;
	v1 =	vadd.s32 $0x3D0A00, v0  }
0x4b: {  	v0 =	vld [tilespmem:s26+$0x0];
	[tilespmem:s24+$0x2800] =	vst v1;
	s24 =	smov.u32 s26  }
0x4c: {  	_ =	sdelay $0x3  }
0x4d: {  	v0 =	vadd.s32 $0x3D0A00, v0  }
0x4e: {  	[tilespmem:s24+$0x2800] =	vst v0  }
0x4f: {  	[tilespmem:s17], [sflag:$0x1] =	stream.indirect.gather [hbm4b:s4+s10], $0x1, s10, s10, $0xb8;
	[tilespmem:$0x1B800] =	vst v63  }
0x50: {  	_ =	swait.ge [sflag:s13], $0x2800  }
0x51: {  	[sflag:s13] =	ssyncset.done $0x0  }
0x52: {  	s24 =	simm.s32 $0x0;
	[sflag:s13] =	ssyncadd.s32 $0xFFFFD800  }
0x53: {  	s25 =	simm.s32 $0x40;
	v0 =	vld [tilespmem:s24+$0x0]  }
.LBB2_12:
0x54: {  	p0 =	sne.s32 s25, $0x9FC0  }
.Ltmp5:
0x55: {  	_ = 	snop;
	(pc) =	sbr.rel @p0 .LBB2_12-.Ltmp5, $3  }
0x56: {  	_ =	sdelay $0x1  }
0x57: {  	s26 =	sshra.s32 s25, $0x2;
	s25 =	sadd.s32 $0x40, s25;
	v1 =	vadd.s32 $0x4C4C80, v0  }
0x58: {  	v0 =	vld [tilespmem:s26+$0x0];
	[tilespmem:s24+$0x2800] =	vst v1;
	s24 =	smov.u32 s26  }
0x59: {  	_ =	sdelay $0x3  }
0x5a: {  	v0 =	vadd.s32 $0x4C4C80, v0  }
0x5b: {  	[tilespmem:s24+$0x2800] =	vst v0  }
0x5c: {  	[tilespmem:s18], [sflag:$0x1] =	stream.indirect.gather [hbm4b:s4+s10], $0x1, s10, s10, $0xb8;
	[tilespmem:$0x1B800] =	vst v63  }
0x5d: {  	_ =	swait.ge [sflag:s13], $0x2800  }
0x5e: {  	[sflag:s13] =	ssyncset.done $0x0  }
0x5f: {  	s24 =	simm.s32 $0x0;
	[sflag:s13] =	ssyncadd.s32 $0xFFFFD800  }
0x60: {  	s25 =	simm.s32 $0x40;
	v0 =	vld [tilespmem:s24+$0x0]  }
.LBB2_14:
0x61: {  	p0 =	sne.s32 s25, $0x9FC0  }
.Ltmp6:
0x62: {  	_ = 	snop;
	(pc) =	sbr.rel @p0 .LBB2_14-.Ltmp6, $3  }
0x63: {  	_ =	sdelay $0x1  }
0x64: {  	s26 =	sshra.s32 s25, $0x2;
	s25 =	sadd.s32 $0x40, s25;
	v1 =	vadd.s32 $0x5B8F00, v0  }
0x65: {  	v0 =	vld [tilespmem:s26+$0x0];
	[tilespmem:s24+$0x2800] =	vst v1;
	s24 =	smov.u32 s26  }
0x66: {  	_ =	sdelay $0x3  }
0x67: {  	v0 =	vadd.s32 $0x5B8F00, v0  }
0x68: {  	[tilespmem:s24+$0x2800] =	vst v0  }
0x69: {  	[tilespmem:s19], [sflag:$0x1] =	stream.indirect.gather [hbm4b:s4+s10], $0x1, s10, s10, $0xb8;
	[tilespmem:$0x1B800] =	vst v63  }
0x6a: {  	_ =	swait.ge [sflag:s13], $0x2800  }
0x6b: {  	[sflag:s13] =	ssyncset.done $0x0  }
0x6c: {  	s24 =	simm.s32 $0x0;
	[sflag:s13] =	ssyncadd.s32 $0xFFFFD800  }
0x6d: {  	s25 =	simm.s32 $0x40;
	v0 =	vld [tilespmem:s24+$0x0]  }
.LBB2_16:
0x6e: {  	p0 =	sne.s32 s25, $0x9FC0  }
.Ltmp7:
0x6f: {  	_ = 	snop;
	(pc) =	sbr.rel @p0 .LBB2_16-.Ltmp7, $3  }
0x70: {  	_ =	sdelay $0x1  }
0x71: {  	s26 =	sshra.s32 s25, $0x2;
	s25 =	sadd.s32 $0x40, s25;
	v1 =	vadd.s32 $0x6AD180, v0  }
0x72: {  	v0 =	vld [tilespmem:s26+$0x0];
	[tilespmem:s24+$0x2800] =	vst v1;
	s24 =	smov.u32 s26  }
0x73: {  	_ =	sdelay $0x3  }
0x74: {  	v0 =	vadd.s32 $0x6AD180, v0  }
0x75: {  	[tilespmem:s24+$0x2800] =	vst v0  }
0x76: {  	[tilespmem:s20], [sflag:$0x1] =	stream.indirect.gather [hbm4b:s4+s10], $0x1, s10, s10, $0xb8;
	[tilespmem:$0x1B800] =	vst v63  }
0x77: {  	_ =	swait.ge [sflag:s13], $0x2800  }
0x78: {  	[sflag:s13] =	ssyncset.done $0x0  }
0x79: {  	[sflag:s13] =	ssyncadd.s32 $0xFFFFD800  }
0x7a: {  	_ =	swait.ge [sflag:s21], $0x2800  }
0x7b: {  	[sflag:s21] =	ssyncset.done $0x0  }
0x7c: {  	[sflag:s21] =	ssyncadd.s32 $0xFFFFD800  }
0x7d: {  	[hbm4b:s6+s10] =	stream.strided.scatter [tilespmem:s12], [sflag:$0x3], $0x14000, s22, s10, $0x38;
	[tilespmem:$0x1B800] =	vst v63  }
0x7e: {  	s23 =	sadd.s32 $0x1, s23;
	_ =	swait.ge [sflag:s9], $0x14000  }
0x7f: {  	p0 =	sne.s32 s23, s8;
	[sflag:s9] =	ssyncset.done $0x0  }
.Ltmp8:
0x80: {  	[sflag:s9] =	ssyncadd.s32 $0xFFFEC000;
	(pc) =	sbr.rel @p0 .LBB2_1-.Ltmp8, $4  }
0x81: {  	[hbm4b:s7+s3] =	stream.linear.scatter [tilespmem:s11], [sflag:$0x3], $0x2800, $0x38;
	[tilespmem:$0x1B800] =	vst v63  }
0x82: {  	_ =	swait.ge [sflag:s9], $0x2800  }
0x83: {  	[sflag:s9] =	ssyncset.done $0x0  }
0x84: {  	[sflag:s9] =	ssyncadd.s32 $0xFFFFD800  }
0x85: {  	_ =	sfence.sel $0x180000  }
0x86: {  	[bflag:$0x0] =	sbarrier.arrive $0xFFFF  }
0x87: {  	p0 =	sne.s32 s0, $0x0;
	_ =	strace $0x90000047  }
0x88: {  	s0 =	sadd.s32 @!p0 $0x100000, s1;
	[bflag:$0x2] =	sbarrier.arrive $0xFFFF  }
0x89: {  	[sflag:s0] =	ssyncadd.tile.s32 @!p0 $0x1;
	_ =	shalt  }
.Lfunc_end2:
_tile_overlayer_lowered:
.L_overlay_start_2:
0x8a: {  	(tag) =	ssettag $0x2  }
0x8b: {  	s0 =	rddreg [dreg:$0x0];
	s2 =	stileid.u32  }
0x8c: {  	s1 =	rddreg [dreg:$0x1];
	p0 =	sne.s32 s2, $0x0  }
0x8d: {  	s3 =	rddreg [dreg:$0x2];
	[bflag:$0x3] =	sbarrier.arrive $0xFFFF;
	s2 =	simm.s32 @!p0 $0x1C03  }
0x8e: {  	[timem:s3], [sflag:s2] =	dma.local @!p0 [hbm:s0], s1  }
0x8f: {  	s0 =	simm.s32 @!p0 $0x3  }
0x90: {  	_ =	swait.ge @!p0 [sflag:s0], s1  }
0x91: {  	s1 =	ssub.s32 @!p0 $0x0, s1;
	[sflag:s0] =	ssyncset.done @!p0 $0x0  }
0x92: {  	[sflag:s0] =	ssyncadd.s32 @!p0 s1  }
0x93: {  	[bflag:$0x3] =	sbarrier.arrive $0xFFFF  }
0x94: {  	_ =	shalt  }

</sc_bundles>
